<compile_context>
chip_gen: v7x
topology: tpu7x:2x2x1
jax: 0.10.2.dev20260603
libtpu: 0.0.44.dev20260713+nightly
codegen_flags: <defaults>
</compile_context>

<pallas_src>
import functools

import jax
import jax.numpy as jnp
from jax import lax
from jax.experimental import pallas as pl
from jax.experimental.pallas import tpu as pltpu
from jax.experimental.pallas import tpu_sc as plsc

B = 16384
D = 128
NC = 2
NS = 16
NW = NC * NS
CH = 128
ROWS_PER_W = B // NW
NCHUNK = ROWS_PER_W // CH
BLK = 8192


def _sc_gather_both(u_emb, i_emb, uidx2d, iidx2d):
  mesh = plsc.VectorSubcoreMesh(core_axis_name="c", subcore_axis_name="s")

  @functools.partial(
      pl.kernel,
      mesh=mesh,
      out_type=[
          jax.ShapeDtypeStruct((B, D), jnp.float32),
          jax.ShapeDtypeStruct((B, D), jnp.float32),
      ],
      scratch_types=[
          pltpu.VMEM((NCHUNK, CH), jnp.int32),
          pltpu.VMEM((NCHUNK, CH), jnp.int32),
          pltpu.VMEM((CH, D), jnp.float32),
          pltpu.VMEM((CH, D), jnp.float32),
          pltpu.VMEM((CH, D), jnp.float32),
          pltpu.VMEM((CH, D), jnp.float32),
          pltpu.SemaphoreType.DMA,
          pltpu.SemaphoreType.DMA,
          pltpu.SemaphoreType.DMA,
          pltpu.SemaphoreType.DMA,
      ],
  )
  def k(uemb_hbm, iemb_hbm, uidx_hbm, iidx_hbm, ue_out, ie_out,
        uidx_v, iidx_v, ubuf0, ubuf1, ibuf0, ibuf1,
        usem0, usem1, isem0, isem1):
    wid = lax.axis_index("s") * NC + lax.axis_index("c")
    idx_row0 = wid * NCHUNK
    base = wid * ROWS_PER_W
    pltpu.sync_copy(uidx_hbm.at[pl.ds(idx_row0, NCHUNK)], uidx_v)
    pltpu.sync_copy(iidx_hbm.at[pl.ds(idx_row0, NCHUNK)], iidx_v)
    ubufs, usems = (ubuf0, ubuf1), (usem0, usem1)
    ibufs, isems = (ibuf0, ibuf1), (isem0, isem1)
    du = [pltpu.async_copy(uemb_hbm.at[uidx_v.at[j]], ubufs[j], usems[j])
          for j in range(2)]
    di = [pltpu.async_copy(iemb_hbm.at[iidx_v.at[j]], ibufs[j], isems[j])
          for j in range(2)]
    for j in range(NCHUNK):
      s = j % 2
      du[s].wait()
      pltpu.sync_copy(ubufs[s], ue_out.at[pl.ds(base + j * CH, CH)])
      if j + 2 < NCHUNK:
        du[s] = pltpu.async_copy(
            uemb_hbm.at[uidx_v.at[j + 2]], ubufs[s], usems[s])
      di[s].wait()
      pltpu.sync_copy(ibufs[s], ie_out.at[pl.ds(base + j * CH, CH)])
      if j + 2 < NCHUNK:
        di[s] = pltpu.async_copy(
            iemb_hbm.at[iidx_v.at[j + 2]], ibufs[s], isems[s])

  return k(u_emb, i_emb, uidx2d, iidx2d)


def _tc_head_body(ue_ref, ie_ref, w1a_ref, w1b_ref, b1_ref, w2_ref, b2_ref,
                  w3_ref, b3_ref, out_ref):
  ue = ue_ref[...]
  ie = ie_ref[...]
  h1 = jnp.maximum(
      ue @ w1a_ref[...] + ie @ w1b_ref[...] + b1_ref[...], 0.0)
  h2 = jnp.maximum(h1 @ w2_ref[...] + b2_ref[...], 0.0)
  mlp = h2 @ w3_ref[...]
  mf = jnp.sum(ue * ie, axis=1, keepdims=True)
  pred_col = mf + mlp + b3_ref[0]
  pred_row = jnp.transpose(pred_col)
  out_ref[...] = jax.nn.sigmoid(pred_row)[None]


def _tc_head(ue, ie, w1a, w1b, b1r, W2, b2r, W3, b3):
  grid = B // BLK
  out2d = pl.pallas_call(
      _tc_head_body,
      grid=(grid,),
      in_specs=[
          pl.BlockSpec((BLK, D), lambda i: (i, 0)),
          pl.BlockSpec((BLK, D), lambda i: (i, 0)),
          pl.BlockSpec((D, D), lambda i: (0, 0)),
          pl.BlockSpec((D, D), lambda i: (0, 0)),
          pl.BlockSpec((1, D), lambda i: (0, 0)),
          pl.BlockSpec((D, 16), lambda i: (0, 0)),
          pl.BlockSpec((1, 16), lambda i: (0, 0)),
          pl.BlockSpec((16, 1), lambda i: (0, 0)),
          pl.BlockSpec(memory_space=pltpu.SMEM),
      ],
      out_specs=pl.BlockSpec((1, 1, BLK), lambda i: (i, 0, 0)),
      out_shape=jax.ShapeDtypeStruct((grid, 1, BLK), jnp.float32),
      compiler_params=pltpu.CompilerParams(
          dimension_semantics=("parallel",),
      ),
  )(ue, ie, w1a, w1b, b1r, W2, b2r, W3, b3)
  return out2d.reshape(B)


def kernel(user, item, u_emb, i_emb, W1, b1, W2, b2, W3, b3):
  uidx2d = user[:, 0].reshape(B // CH, CH)
  iidx2d = item[:, 0].reshape(B // CH, CH)
  w1a = W1[:D]
  w1b = W1[D:]
  b1r = b1.reshape(1, D)
  b2r = b2.reshape(1, 16)
  ue, ie = _sc_gather_both(u_emb, i_emb, uidx2d, iidx2d)
  return _tc_head(ue, ie, w1a, w1b, b1r, W2, b2r, W3, b3)

# --- scband reference (transcript-rebuilt; emitter-appended) ---
"""Pipeline reference for scband-matrix-factorization-6794638262713 (READ-ONLY COPY).

The authoritative reference and input builder live on the scoring server;
editing this copy changes nothing except your own understanding.
"""

import jax, jax.numpy as jnp
import numpy as np

B = 16384
N_USERS = 100000
N_ITEMS = 100000
D = 128


def setup_inputs(seed: int = 0) -> dict:
    key = jax.random.key(seed)
    ks = jax.random.split(key, 12)
    user = jax.random.randint(ks[0], (B, 1), 0, N_USERS, dtype=jnp.int32)
    item = jax.random.randint(ks[1], (B, 1), 0, N_ITEMS, dtype=jnp.int32)
    # xavier-normal embedding tables
    u_emb = jax.random.normal(ks[2], (N_USERS, D), dtype=jnp.float32) * np.sqrt(2.0 / (N_USERS + D))
    i_emb = jax.random.normal(ks[3], (N_ITEMS, D), dtype=jnp.float32) * np.sqrt(2.0 / (N_ITEMS + D))
    # MLP: (2D -> D) -> relu -> (D -> 16) -> relu -> (16 -> 1)
    d_in = 2 * D
    W1 = jax.random.normal(ks[4], (d_in, d_in // 2), dtype=jnp.float32) * (1.0 / np.sqrt(d_in))
    b1 = jnp.zeros((d_in // 2,), dtype=jnp.float32)
    W2 = jax.random.normal(ks[5], (d_in // 2, 16), dtype=jnp.float32) * (1.0 / np.sqrt(d_in // 2))
    b2 = jnp.zeros((16,), dtype=jnp.float32)
    W3 = jax.random.normal(ks[6], (16, 1), dtype=jnp.float32) * (1.0 / np.sqrt(16))
    b3 = jnp.zeros((1,), dtype=jnp.float32)
    return {"user": user, "item": item, "u_emb": u_emb, "i_emb": i_emb,
            "W1": W1, "b1": b1, "W2": W2, "b2": b2, "W3": W3, "b3": b3}


def reference(user, item, u_emb, i_emb, W1, b1, W2, b2, W3, b3):
    u_idx = user[:, 0]
    i_idx = item[:, 0]
    ue = jnp.take(u_emb, u_idx, axis=0)
    ie = jnp.take(i_emb, i_idx, axis=0)
    mf_pred = jnp.sum(ue * ie, axis=1)
    mlp_input = jnp.concatenate([ue, ie], axis=1)
    h = jax.nn.relu(mlp_input @ W1 + b1)
    h = jax.nn.relu(h @ W2 + b2)
    mlp_pred = (h @ W3 + b3)[:, 0]
    pred = mf_pred + mlp_pred
    return jax.nn.sigmoid(pred)

if __name__ == "__main__":
    import jax
    _d = setup_inputs()
    print(jax.jit(kernel)(*tuple(_d.values())))

</pallas_src>

<mosaic_0001>
#map = affine_map<(d0, d1) -> (0, 0)>
module attributes {stable_mosaic.version = 14 : i64} {
  func.func @k(%arg0: i32, %arg1: i32, %arg2: memref<100000x128xf32, #tpu.memory_space<hbm>>, %arg3: memref<100000x128xf32, #tpu.memory_space<hbm>>, %arg4: memref<128x128xi32, #tpu.memory_space<hbm>>, %arg5: memref<128x128xi32, #tpu.memory_space<hbm>>, %arg6: memref<16384x128xf32, #tpu.memory_space<hbm>>, %arg7: memref<16384x128xf32, #tpu.memory_space<hbm>>, %arg8: memref<4x128xi32, #tpu.memory_space<vmem>>, %arg9: memref<4x128xi32, #tpu.memory_space<vmem>>, %arg10: memref<128x128xf32, #tpu.memory_space<vmem>>, %arg11: memref<128x128xf32, #tpu.memory_space<vmem>>, %arg12: memref<128x128xf32, #tpu.memory_space<vmem>>, %arg13: memref<128x128xf32, #tpu.memory_space<vmem>>, %arg14: memref<!tpu.dma_semaphore, #tpu.memory_space<semaphore_mem>>, %arg15: memref<!tpu.dma_semaphore, #tpu.memory_space<semaphore_mem>>, %arg16: memref<!tpu.dma_semaphore, #tpu.memory_space<semaphore_mem>>, %arg17: memref<!tpu.dma_semaphore, #tpu.memory_space<semaphore_mem>>) attributes {dimension_semantics = [#tpu.dimension_semantics<core_parallel>, #tpu.dimension_semantics<subcore_parallel>], iteration_bounds = array<i64: 2, 16>, scalar_prefetch = 0 : i64, scratch_operands = 10 : i64, tpu.core_type = #tpu.core_type<sc_vector_subcore>, window_params = [{transform_indices = #map}, {transform_indices = #map}, {transform_indices = #map}, {transform_indices = #map}, {transform_indices = #map}, {transform_indices = #map}]} {
    %mul3A = arith.constant 2 : i32
    %mul3A_0 = arith.muli %arg1, %mul3A : i32
    %add3A = arith.addi %mul3A_0, %arg0 : i32
    %mul3A_1 = arith.constant 4 : i32
    %mul3A_2 = arith.muli %add3A, %mul3A_1 : i32
    %mul3A_3 = arith.constant 512 : i32
    %mul3A_4 = arith.muli %add3A, %mul3A_3 : i32
    "tpu.region"() ({
      %run_scoped3A = tpu.sem_alloc : memref<!tpu.dma_semaphore, #tpu.memory_space<semaphore_mem>>
      %dma_start3A_131 = arith.constant 0 : i32
      %dma_start3A_132 = tpu.memref_slice %arg4[%mul3A_2, %dma_start3A_131] : memref<128x128xi32, #tpu.memory_space<hbm>> -> memref<4x128xi32, #tpu.memory_space<hbm>>
      %dma_start3A_133 = arith.constant 0 : i32
      %dma_start3A_134 = tpu.memref_slice %arg4[%mul3A_2, %dma_start3A_133] : memref<128x128xi32, #tpu.memory_space<hbm>> -> memref<4x128xi32, #tpu.memory_space<hbm>>
      tpu.enqueue_dma source(%dma_start3A_134 : memref<4x128xi32, #tpu.memory_space<hbm>>) target(%arg8 : memref<4x128xi32, #tpu.memory_space<vmem>>) target_semaphore(%run_scoped3A : memref<!tpu.dma_semaphore, #tpu.memory_space<semaphore_mem>>)
      %dma_wait3A_135 = arith.constant 0 : i32
      %dma_wait3A_136 = tpu.memref_slice %arg4[%mul3A_2, %dma_wait3A_135] : memref<128x128xi32, #tpu.memory_space<hbm>> -> memref<4x128xi32, #tpu.memory_space<hbm>>
      %dma_wait3A_137 = arith.constant 0 : i32
      %dma_wait3A_138 = tpu.memref_slice %arg4[%mul3A_2, %dma_wait3A_137] : memref<128x128xi32, #tpu.memory_space<hbm>> -> memref<4x128xi32, #tpu.memory_space<hbm>>
      tpu.wait_dma2 semaphore(%run_scoped3A : memref<!tpu.dma_semaphore, #tpu.memory_space<semaphore_mem>>) src(%dma_wait3A_138 : memref<4x128xi32, #tpu.memory_space<hbm>>) dst(%arg8 : memref<4x128xi32, #tpu.memory_space<vmem>>)
      tpu.yield
    }) : () -> ()
    "tpu.region"() ({
      %run_scoped3A = tpu.sem_alloc : memref<!tpu.dma_semaphore, #tpu.memory_space<semaphore_mem>>
      %dma_start3A_131 = arith.constant 0 : i32
      %dma_start3A_132 = tpu.memref_slice %arg5[%mul3A_2, %dma_start3A_131] : memref<128x128xi32, #tpu.memory_space<hbm>> -> memref<4x128xi32, #tpu.memory_space<hbm>>
      %dma_start3A_133 = arith.constant 0 : i32
      %dma_start3A_134 = tpu.memref_slice %arg5[%mul3A_2, %dma_start3A_133] : memref<128x128xi32, #tpu.memory_space<hbm>> -> memref<4x128xi32, #tpu.memory_space<hbm>>
      tpu.enqueue_dma source(%dma_start3A_134 : memref<4x128xi32, #tpu.memory_space<hbm>>) target(%arg9 : memref<4x128xi32, #tpu.memory_space<vmem>>) target_semaphore(%run_scoped3A : memref<!tpu.dma_semaphore, #tpu.memory_space<semaphore_mem>>)
      %dma_wait3A_135 = arith.constant 0 : i32
      %dma_wait3A_136 = tpu.memref_slice %arg5[%mul3A_2, %dma_wait3A_135] : memref<128x128xi32, #tpu.memory_space<hbm>> -> memref<4x128xi32, #tpu.memory_space<hbm>>
      %dma_wait3A_137 = arith.constant 0 : i32
      %dma_wait3A_138 = tpu.memref_slice %arg5[%mul3A_2, %dma_wait3A_137] : memref<128x128xi32, #tpu.memory_space<hbm>> -> memref<4x128xi32, #tpu.memory_space<hbm>>
      tpu.wait_dma2 semaphore(%run_scoped3A : memref<!tpu.dma_semaphore, #tpu.memory_space<semaphore_mem>>) src(%dma_wait3A_138 : memref<4x128xi32, #tpu.memory_space<hbm>>) dst(%arg9 : memref<4x128xi32, #tpu.memory_space<vmem>>)
      tpu.yield
    }) : () -> ()
    %dma_start3A = arith.constant 0 : i32
    %dma_start3A_5 = arith.constant 0 : i32
    %dma_start3A_6 = tpu.memref_slice %arg8[%dma_start3A, %dma_start3A_5] : memref<4x128xi32, #tpu.memory_space<vmem>> -> memref<1x128xi32, #tpu.memory_space<vmem>>
    %dma_start3A_7 = tpu.memref_squeeze %dma_start3A_6 : memref<1x128xi32, #tpu.memory_space<vmem>> -> memref<128xi32, #tpu.memory_space<vmem>>
    %dma_start3A_8 = arith.constant 0 : i32
    %dma_start3A_9 = arith.constant 0 : i32
    %dma_start3A_10 = tpu.memref_slice %arg2[%dma_start3A_8, %dma_start3A_9] : memref<100000x128xf32, #tpu.memory_space<hbm>> -> memref<100000x128xf32, #tpu.memory_space<hbm>>
    tpu.enqueue_indirect_dma source(%dma_start3A_10 : memref<100000x128xf32, #tpu.memory_space<hbm>>) target(%arg10 : memref<128x128xf32, #tpu.memory_space<vmem>>) offsets(%dma_start3A_7 : memref<128xi32, #tpu.memory_space<vmem>>) semaphore(%arg14 : memref<!tpu.dma_semaphore, #tpu.memory_space<semaphore_mem>>)
    %dma_start3A_11 = arith.constant 1 : i32
    %dma_start3A_12 = arith.constant 0 : i32
    %dma_start3A_13 = tpu.memref_slice %arg8[%dma_start3A_11, %dma_start3A_12] : memref<4x128xi32, #tpu.memory_space<vmem>> -> memref<1x128xi32, #tpu.memory_space<vmem>>
    %dma_start3A_14 = tpu.memref_squeeze %dma_start3A_13 : memref<1x128xi32, #tpu.memory_space<vmem>> -> memref<128xi32, #tpu.memory_space<vmem>>
    %dma_start3A_15 = arith.constant 0 : i32
    %dma_start3A_16 = arith.constant 0 : i32
    %dma_start3A_17 = tpu.memref_slice %arg2[%dma_start3A_15, %dma_start3A_16] : memref<100000x128xf32, #tpu.memory_space<hbm>> -> memref<100000x128xf32, #tpu.memory_space<hbm>>
    tpu.enqueue_indirect_dma source(%dma_start3A_17 : memref<100000x128xf32, #tpu.memory_space<hbm>>) target(%arg11 : memref<128x128xf32, #tpu.memory_space<vmem>>) offsets(%dma_start3A_14 : memref<128xi32, #tpu.memory_space<vmem>>) semaphore(%arg15 : memref<!tpu.dma_semaphore, #tpu.memory_space<semaphore_mem>>)
    %dma_start3A_18 = arith.constant 0 : i32
    %dma_start3A_19 = arith.constant 0 : i32
    %dma_start3A_20 = tpu.memref_slice %arg9[%dma_start3A_18, %dma_start3A_19] : memref<4x128xi32, #tpu.memory_space<vmem>> -> memref<1x128xi32, #tpu.memory_space<vmem>>
    %dma_start3A_21 = tpu.memref_squeeze %dma_start3A_20 : memref<1x128xi32, #tpu.memory_space<vmem>> -> memref<128xi32, #tpu.memory_space<vmem>>
    %dma_start3A_22 = arith.constant 0 : i32
    %dma_start3A_23 = arith.constant 0 : i32
    %dma_start3A_24 = tpu.memref_slice %arg3[%dma_start3A_22, %dma_start3A_23] : memref<100000x128xf32, #tpu.memory_space<hbm>> -> memref<100000x128xf32, #tpu.memory_space<hbm>>
    tpu.enqueue_indirect_dma source(%dma_start3A_24 : memref<100000x128xf32, #tpu.memory_space<hbm>>) target(%arg12 : memref<128x128xf32, #tpu.memory_space<vmem>>) offsets(%dma_start3A_21 : memref<128xi32, #tpu.memory_space<vmem>>) semaphore(%arg16 : memref<!tpu.dma_semaphore, #tpu.memory_space<semaphore_mem>>)
    %dma_start3A_25 = arith.constant 1 : i32
    %dma_start3A_26 = arith.constant 0 : i32
    %dma_start3A_27 = tpu.memref_slice %arg9[%dma_start3A_25, %dma_start3A_26] : memref<4x128xi32, #tpu.memory_space<vmem>> -> memref<1x128xi32, #tpu.memory_space<vmem>>
    %dma_start3A_28 = tpu.memref_squeeze %dma_start3A_27 : memref<1x128xi32, #tpu.memory_space<vmem>> -> memref<128xi32, #tpu.memory_space<vmem>>
    %dma_start3A_29 = arith.constant 0 : i32
    %dma_start3A_30 = arith.constant 0 : i32
    %dma_start3A_31 = tpu.memref_slice %arg3[%dma_start3A_29, %dma_start3A_30] : memref<100000x128xf32, #tpu.memory_space<hbm>> -> memref<100000x128xf32, #tpu.memory_space<hbm>>
    tpu.enqueue_indirect_dma source(%dma_start3A_31 : memref<100000x128xf32, #tpu.memory_space<hbm>>) target(%arg13 : memref<128x128xf32, #tpu.memory_space<vmem>>) offsets(%dma_start3A_28 : memref<128xi32, #tpu.memory_space<vmem>>) semaphore(%arg17 : memref<!tpu.dma_semaphore, #tpu.memory_space<semaphore_mem>>)
    %dma_wait3A = arith.constant 0 : i32
    %dma_wait3A_32 = arith.constant 0 : i32
    %dma_wait3A_33 = tpu.memref_slice %arg8[%dma_wait3A, %dma_wait3A_32] : memref<4x128xi32, #tpu.memory_space<vmem>> -> memref<1x128xi32, #tpu.memory_space<vmem>>
    %dma_wait3A_34 = tpu.memref_squeeze %dma_wait3A_33 : memref<1x128xi32, #tpu.memory_space<vmem>> -> memref<128xi32, #tpu.memory_space<vmem>>
    %dma_wait3A_35 = arith.constant 0 : i32
    %dma_wait3A_36 = arith.constant 0 : i32
    %dma_wait3A_37 = tpu.memref_slice %arg2[%dma_wait3A_35, %dma_wait3A_36] : memref<100000x128xf32, #tpu.memory_space<hbm>> -> memref<100000x128xf32, #tpu.memory_space<hbm>>
    tpu.wait_indirect_dma semaphore(%arg14 : memref<!tpu.dma_semaphore, #tpu.memory_space<semaphore_mem>>) src(%dma_wait3A_37 : memref<100000x128xf32, #tpu.memory_space<hbm>>) dst(%arg10 : memref<128x128xf32, #tpu.memory_space<vmem>>)
    %add3A_38 = arith.constant 0 : i32
    %add3A_39 = arith.addi %mul3A_4, %add3A_38 : i32
    "tpu.region"() ({
      %run_scoped3A = tpu.sem_alloc : memref<!tpu.dma_semaphore, #tpu.memory_space<semaphore_mem>>
      %dma_start3A_131 = arith.constant 0 : i32
      %dma_start3A_132 = tpu.memref_slice %arg6[%add3A_39, %dma_start3A_131] : memref<16384x128xf32, #tpu.memory_space<hbm>> -> memref<128x128xf32, #tpu.memory_space<hbm>>
      %dma_start3A_133 = arith.constant 0 : i32
      %dma_start3A_134 = tpu.memref_slice %arg6[%add3A_39, %dma_start3A_133] : memref<16384x128xf32, #tpu.memory_space<hbm>> -> memref<128x128xf32, #tpu.memory_space<hbm>>
      tpu.enqueue_dma source(%arg10 : memref<128x128xf32, #tpu.memory_space<vmem>>) target(%dma_start3A_134 : memref<128x128xf32, #tpu.memory_space<hbm>>) target_semaphore(%run_scoped3A : memref<!tpu.dma_semaphore, #tpu.memory_space<semaphore_mem>>)
      %dma_wait3A_135 = arith.constant 0 : i32
      %dma_wait3A_136 = tpu.memref_slice %arg6[%add3A_39, %dma_wait3A_135] : memref<16384x128xf32, #tpu.memory_space<hbm>> -> memref<128x128xf32, #tpu.memory_space<hbm>>
      %dma_wait3A_137 = arith.constant 0 : i32
      %dma_wait3A_138 = tpu.memref_slice %arg6[%add3A_39, %dma_wait3A_137] : memref<16384x128xf32, #tpu.memory_space<hbm>> -> memref<128x128xf32, #tpu.memory_space<hbm>>
      tpu.wait_dma2 semaphore(%run_scoped3A : memref<!tpu.dma_semaphore, #tpu.memory_space<semaphore_mem>>) src(%arg10 : memref<128x128xf32, #tpu.memory_space<vmem>>) dst(%dma_wait3A_138 : memref<128x128xf32, #tpu.memory_space<hbm>>)
      tpu.yield
    }) : () -> ()
    %dma_start3A_40 = arith.constant 2 : i32
    %dma_start3A_41 = arith.constant 0 : i32
    %dma_start3A_42 = tpu.memref_slice %arg8[%dma_start3A_40, %dma_start3A_41] : memref<4x128xi32, #tpu.memory_space<vmem>> -> memref<1x128xi32, #tpu.memory_space<vmem>>
    %dma_start3A_43 = tpu.memref_squeeze %dma_start3A_42 : memref<1x128xi32, #tpu.memory_space<vmem>> -> memref<128xi32, #tpu.memory_space<vmem>>
    %dma_start3A_44 = arith.constant 0 : i32
    %dma_start3A_45 = arith.constant 0 : i32
    %dma_start3A_46 = tpu.memref_slice %arg2[%dma_start3A_44, %dma_start3A_45] : memref<100000x128xf32, #tpu.memory_space<hbm>> -> memref<100000x128xf32, #tpu.memory_space<hbm>>
    tpu.enqueue_indirect_dma source(%dma_start3A_46 : memref<100000x128xf32, #tpu.memory_space<hbm>>) target(%arg10 : memref<128x128xf32, #tpu.memory_space<vmem>>) offsets(%dma_start3A_43 : memref<128xi32, #tpu.memory_space<vmem>>) semaphore(%arg14 : memref<!tpu.dma_semaphore, #tpu.memory_space<semaphore_mem>>)
    %dma_wait3A_47 = arith.constant 0 : i32
    %dma_wait3A_48 = arith.constant 0 : i32
    %dma_wait3A_49 = tpu.memref_slice %arg9[%dma_wait3A_47, %dma_wait3A_48] : memref<4x128xi32, #tpu.memory_space<vmem>> -> memref<1x128xi32, #tpu.memory_space<vmem>>
    %dma_wait3A_50 = tpu.memref_squeeze %dma_wait3A_49 : memref<1x128xi32, #tpu.memory_space<vmem>> -> memref<128xi32, #tpu.memory_space<vmem>>
    %dma_wait3A_51 = arith.constant 0 : i32
    %dma_wait3A_52 = arith.constant 0 : i32
    %dma_wait3A_53 = tpu.memref_slice %arg3[%dma_wait3A_51, %dma_wait3A_52] : memref<100000x128xf32, #tpu.memory_space<hbm>> -> memref<100000x128xf32, #tpu.memory_space<hbm>>
    tpu.wait_indirect_dma semaphore(%arg16 : memref<!tpu.dma_semaphore, #tpu.memory_space<semaphore_mem>>) src(%dma_wait3A_53 : memref<100000x128xf32, #tpu.memory_space<hbm>>) dst(%arg12 : memref<128x128xf32, #tpu.memory_space<vmem>>)
    %add3A_54 = arith.constant 0 : i32
    %add3A_55 = arith.addi %mul3A_4, %add3A_54 : i32
    "tpu.region"() ({
      %run_scoped3A = tpu.sem_alloc : memref<!tpu.dma_semaphore, #tpu.memory_space<semaphore_mem>>
      %dma_start3A_131 = arith.constant 0 : i32
      %dma_start3A_132 = tpu.memref_slice %arg7[%add3A_55, %dma_start3A_131] : memref<16384x128xf32, #tpu.memory_space<hbm>> -> memref<128x128xf32, #tpu.memory_space<hbm>>
      %dma_start3A_133 = arith.constant 0 : i32
      %dma_start3A_134 = tpu.memref_slice %arg7[%add3A_55, %dma_start3A_133] : memref<16384x128xf32, #tpu.memory_space<hbm>> -> memref<128x128xf32, #tpu.memory_space<hbm>>
      tpu.enqueue_dma source(%arg12 : memref<128x128xf32, #tpu.memory_space<vmem>>) target(%dma_start3A_134 : memref<128x128xf32, #tpu.memory_space<hbm>>) target_semaphore(%run_scoped3A : memref<!tpu.dma_semaphore, #tpu.memory_space<semaphore_mem>>)
      %dma_wait3A_135 = arith.constant 0 : i32
      %dma_wait3A_136 = tpu.memref_slice %arg7[%add3A_55, %dma_wait3A_135] : memref<16384x128xf32, #tpu.memory_space<hbm>> -> memref<128x128xf32, #tpu.memory_space<hbm>>
      %dma_wait3A_137 = arith.constant 0 : i32
      %dma_wait3A_138 = tpu.memref_slice %arg7[%add3A_55, %dma_wait3A_137] : memref<16384x128xf32, #tpu.memory_space<hbm>> -> memref<128x128xf32, #tpu.memory_space<hbm>>
      tpu.wait_dma2 semaphore(%run_scoped3A : memref<!tpu.dma_semaphore, #tpu.memory_space<semaphore_mem>>) src(%arg12 : memref<128x128xf32, #tpu.memory_space<vmem>>) dst(%dma_wait3A_138 : memref<128x128xf32, #tpu.memory_space<hbm>>)
      tpu.yield
    }) : () -> ()
    %dma_start3A_56 = arith.constant 2 : i32
    %dma_start3A_57 = arith.constant 0 : i32
    %dma_start3A_58 = tpu.memref_slice %arg9[%dma_start3A_56, %dma_start3A_57] : memref<4x128xi32, #tpu.memory_space<vmem>> -> memref<1x128xi32, #tpu.memory_space<vmem>>
    %dma_start3A_59 = tpu.memref_squeeze %dma_start3A_58 : memref<1x128xi32, #tpu.memory_space<vmem>> -> memref<128xi32, #tpu.memory_space<vmem>>
    %dma_start3A_60 = arith.constant 0 : i32
    %dma_start3A_61 = arith.constant 0 : i32
    %dma_start3A_62 = tpu.memref_slice %arg3[%dma_start3A_60, %dma_start3A_61] : memref<100000x128xf32, #tpu.memory_space<hbm>> -> memref<100000x128xf32, #tpu.memory_space<hbm>>
    tpu.enqueue_indirect_dma source(%dma_start3A_62 : memref<100000x128xf32, #tpu.memory_space<hbm>>) target(%arg12 : memref<128x128xf32, #tpu.memory_space<vmem>>) offsets(%dma_start3A_59 : memref<128xi32, #tpu.memory_space<vmem>>) semaphore(%arg16 : memref<!tpu.dma_semaphore, #tpu.memory_space<semaphore_mem>>)
    %dma_wait3A_63 = arith.constant 1 : i32
    %dma_wait3A_64 = arith.constant 0 : i32
    %dma_wait3A_65 = tpu.memref_slice %arg8[%dma_wait3A_63, %dma_wait3A_64] : memref<4x128xi32, #tpu.memory_space<vmem>> -> memref<1x128xi32, #tpu.memory_space<vmem>>
    %dma_wait3A_66 = tpu.memref_squeeze %dma_wait3A_65 : memref<1x128xi32, #tpu.memory_space<vmem>> -> memref<128xi32, #tpu.memory_space<vmem>>
    %dma_wait3A_67 = arith.constant 0 : i32
    %dma_wait3A_68 = arith.constant 0 : i32
    %dma_wait3A_69 = tpu.memref_slice %arg2[%dma_wait3A_67, %dma_wait3A_68] : memref<100000x128xf32, #tpu.memory_space<hbm>> -> memref<100000x128xf32, #tpu.memory_space<hbm>>
    tpu.wait_indirect_dma semaphore(%arg15 : memref<!tpu.dma_semaphore, #tpu.memory_space<semaphore_mem>>) src(%dma_wait3A_69 : memref<100000x128xf32, #tpu.memory_space<hbm>>) dst(%arg11 : memref<128x128xf32, #tpu.memory_space<vmem>>)
    %add3A_70 = arith.constant 128 : i32
    %add3A_71 = arith.addi %mul3A_4, %add3A_70 : i32
    "tpu.region"() ({
      %run_scoped3A = tpu.sem_alloc : memref<!tpu.dma_semaphore, #tpu.memory_space<semaphore_mem>>
      %dma_start3A_131 = arith.constant 0 : i32
      %dma_start3A_132 = tpu.memref_slice %arg6[%add3A_71, %dma_start3A_131] : memref<16384x128xf32, #tpu.memory_space<hbm>> -> memref<128x128xf32, #tpu.memory_space<hbm>>
      %dma_start3A_133 = arith.constant 0 : i32
      %dma_start3A_134 = tpu.memref_slice %arg6[%add3A_71, %dma_start3A_133] : memref<16384x128xf32, #tpu.memory_space<hbm>> -> memref<128x128xf32, #tpu.memory_space<hbm>>
      tpu.enqueue_dma source(%arg11 : memref<128x128xf32, #tpu.memory_space<vmem>>) target(%dma_start3A_134 : memref<128x128xf32, #tpu.memory_space<hbm>>) target_semaphore(%run_scoped3A : memref<!tpu.dma_semaphore, #tpu.memory_space<semaphore_mem>>)
      %dma_wait3A_135 = arith.constant 0 : i32
      %dma_wait3A_136 = tpu.memref_slice %arg6[%add3A_71, %dma_wait3A_135] : memref<16384x128xf32, #tpu.memory_space<hbm>> -> memref<128x128xf32, #tpu.memory_space<hbm>>
      %dma_wait3A_137 = arith.constant 0 : i32
      %dma_wait3A_138 = tpu.memref_slice %arg6[%add3A_71, %dma_wait3A_137] : memref<16384x128xf32, #tpu.memory_space<hbm>> -> memref<128x128xf32, #tpu.memory_space<hbm>>
      tpu.wait_dma2 semaphore(%run_scoped3A : memref<!tpu.dma_semaphore, #tpu.memory_space<semaphore_mem>>) src(%arg11 : memref<128x128xf32, #tpu.memory_space<vmem>>) dst(%dma_wait3A_138 : memref<128x128xf32, #tpu.memory_space<hbm>>)
      tpu.yield
    }) : () -> ()
    %dma_start3A_72 = arith.constant 3 : i32
    %dma_start3A_73 = arith.constant 0 : i32
    %dma_start3A_74 = tpu.memref_slice %arg8[%dma_start3A_72, %dma_start3A_73] : memref<4x128xi32, #tpu.memory_space<vmem>> -> memref<1x128xi32, #tpu.memory_space<vmem>>
    %dma_start3A_75 = tpu.memref_squeeze %dma_start3A_74 : memref<1x128xi32, #tpu.memory_space<vmem>> -> memref<128xi32, #tpu.memory_space<vmem>>
    %dma_start3A_76 = arith.constant 0 : i32
    %dma_start3A_77 = arith.constant 0 : i32
    %dma_start3A_78 = tpu.memref_slice %arg2[%dma_start3A_76, %dma_start3A_77] : memref<100000x128xf32, #tpu.memory_space<hbm>> -> memref<100000x128xf32, #tpu.memory_space<hbm>>
    tpu.enqueue_indirect_dma source(%dma_start3A_78 : memref<100000x128xf32, #tpu.memory_space<hbm>>) target(%arg11 : memref<128x128xf32, #tpu.memory_space<vmem>>) offsets(%dma_start3A_75 : memref<128xi32, #tpu.memory_space<vmem>>) semaphore(%arg15 : memref<!tpu.dma_semaphore, #tpu.memory_space<semaphore_mem>>)
    %dma_wait3A_79 = arith.constant 1 : i32
    %dma_wait3A_80 = arith.constant 0 : i32
    %dma_wait3A_81 = tpu.memref_slice %arg9[%dma_wait3A_79, %dma_wait3A_80] : memref<4x128xi32, #tpu.memory_space<vmem>> -> memref<1x128xi32, #tpu.memory_space<vmem>>
    %dma_wait3A_82 = tpu.memref_squeeze %dma_wait3A_81 : memref<1x128xi32, #tpu.memory_space<vmem>> -> memref<128xi32, #tpu.memory_space<vmem>>
    %dma_wait3A_83 = arith.constant 0 : i32
    %dma_wait3A_84 = arith.constant 0 : i32
    %dma_wait3A_85 = tpu.memref_slice %arg3[%dma_wait3A_83, %dma_wait3A_84] : memref<100000x128xf32, #tpu.memory_space<hbm>> -> memref<100000x128xf32, #tpu.memory_space<hbm>>
    tpu.wait_indirect_dma semaphore(%arg17 : memref<!tpu.dma_semaphore, #tpu.memory_space<semaphore_mem>>) src(%dma_wait3A_85 : memref<100000x128xf32, #tpu.memory_space<hbm>>) dst(%arg13 : memref<128x128xf32, #tpu.memory_space<vmem>>)
    %add3A_86 = arith.constant 128 : i32
    %add3A_87 = arith.addi %mul3A_4, %add3A_86 : i32
    "tpu.region"() ({
      %run_scoped3A = tpu.sem_alloc : memref<!tpu.dma_semaphore, #tpu.memory_space<semaphore_mem>>
      %dma_start3A_131 = arith.constant 0 : i32
      %dma_start3A_132 = tpu.memref_slice %arg7[%add3A_87, %dma_start3A_131] : memref<16384x128xf32, #tpu.memory_space<hbm>> -> memref<128x128xf32, #tpu.memory_space<hbm>>
      %dma_start3A_133 = arith.constant 0 : i32
      %dma_start3A_134 = tpu.memref_slice %arg7[%add3A_87, %dma_start3A_133] : memref<16384x128xf32, #tpu.memory_space<hbm>> -> memref<128x128xf32, #tpu.memory_space<hbm>>
      tpu.enqueue_dma source(%arg13 : memref<128x128xf32, #tpu.memory_space<vmem>>) target(%dma_start3A_134 : memref<128x128xf32, #tpu.memory_space<hbm>>) target_semaphore(%run_scoped3A : memref<!tpu.dma_semaphore, #tpu.memory_space<semaphore_mem>>)
      %dma_wait3A_135 = arith.constant 0 : i32
      %dma_wait3A_136 = tpu.memref_slice %arg7[%add3A_87, %dma_wait3A_135] : memref<16384x128xf32, #tpu.memory_space<hbm>> -> memref<128x128xf32, #tpu.memory_space<hbm>>
      %dma_wait3A_137 = arith.constant 0 : i32
      %dma_wait3A_138 = tpu.memref_slice %arg7[%add3A_87, %dma_wait3A_137] : memref<16384x128xf32, #tpu.memory_space<hbm>> -> memref<128x128xf32, #tpu.memory_space<hbm>>
      tpu.wait_dma2 semaphore(%run_scoped3A : memref<!tpu.dma_semaphore, #tpu.memory_space<semaphore_mem>>) src(%arg13 : memref<128x128xf32, #tpu.memory_space<vmem>>) dst(%dma_wait3A_138 : memref<128x128xf32, #tpu.memory_space<hbm>>)
      tpu.yield
    }) : () -> ()
    %dma_start3A_88 = arith.constant 3 : i32
    %dma_start3A_89 = arith.constant 0 : i32
    %dma_start3A_90 = tpu.memref_slice %arg9[%dma_start3A_88, %dma_start3A_89] : memref<4x128xi32, #tpu.memory_space<vmem>> -> memref<1x128xi32, #tpu.memory_space<vmem>>
    %dma_start3A_91 = tpu.memref_squeeze %dma_start3A_90 : memref<1x128xi32, #tpu.memory_space<vmem>> -> memref<128xi32, #tpu.memory_space<vmem>>
    %dma_start3A_92 = arith.constant 0 : i32
    %dma_start3A_93 = arith.constant 0 : i32
    %dma_start3A_94 = tpu.memref_slice %arg3[%dma_start3A_92, %dma_start3A_93] : memref<100000x128xf32, #tpu.memory_space<hbm>> -> memref<100000x128xf32, #tpu.memory_space<hbm>>
    tpu.enqueue_indirect_dma source(%dma_start3A_94 : memref<100000x128xf32, #tpu.memory_space<hbm>>) target(%arg13 : memref<128x128xf32, #tpu.memory_space<vmem>>) offsets(%dma_start3A_91 : memref<128xi32, #tpu.memory_space<vmem>>) semaphore(%arg17 : memref<!tpu.dma_semaphore, #tpu.memory_space<semaphore_mem>>)
    %dma_wait3A_95 = arith.constant 2 : i32
    %dma_wait3A_96 = arith.constant 0 : i32
    %dma_wait3A_97 = tpu.memref_slice %arg8[%dma_wait3A_95, %dma_wait3A_96] : memref<4x128xi32, #tpu.memory_space<vmem>> -> memref<1x128xi32, #tpu.memory_space<vmem>>
    %dma_wait3A_98 = tpu.memref_squeeze %dma_wait3A_97 : memref<1x128xi32, #tpu.memory_space<vmem>> -> memref<128xi32, #tpu.memory_space<vmem>>
    %dma_wait3A_99 = arith.constant 0 : i32
    %dma_wait3A_100 = arith.constant 0 : i32
    %dma_wait3A_101 = tpu.memref_slice %arg2[%dma_wait3A_99, %dma_wait3A_100] : memref<100000x128xf32, #tpu.memory_space<hbm>> -> memref<100000x128xf32, #tpu.memory_space<hbm>>
    tpu.wait_indirect_dma semaphore(%arg14 : memref<!tpu.dma_semaphore, #tpu.memory_space<semaphore_mem>>) src(%dma_wait3A_101 : memref<100000x128xf32, #tpu.memory_space<hbm>>) dst(%arg10 : memref<128x128xf32, #tpu.memory_space<vmem>>)
    %add3A_102 = arith.constant 256 : i32
    %add3A_103 = arith.addi %mul3A_4, %add3A_102 : i32
    "tpu.region"() ({
      %run_scoped3A = tpu.sem_alloc : memref<!tpu.dma_semaphore, #tpu.memory_space<semaphore_mem>>
      %dma_start3A_131 = arith.constant 0 : i32
      %dma_start3A_132 = tpu.memref_slice %arg6[%add3A_103, %dma_start3A_131] : memref<16384x128xf32, #tpu.memory_space<hbm>> -> memref<128x128xf32, #tpu.memory_space<hbm>>
      %dma_start3A_133 = arith.constant 0 : i32
      %dma_start3A_134 = tpu.memref_slice %arg6[%add3A_103, %dma_start3A_133] : memref<16384x128xf32, #tpu.memory_space<hbm>> -> memref<128x128xf32, #tpu.memory_space<hbm>>
      tpu.enqueue_dma source(%arg10 : memref<128x128xf32, #tpu.memory_space<vmem>>) target(%dma_start3A_134 : memref<128x128xf32, #tpu.memory_space<hbm>>) target_semaphore(%run_scoped3A : memref<!tpu.dma_semaphore, #tpu.memory_space<semaphore_mem>>)
      %dma_wait3A_135 = arith.constant 0 : i32
      %dma_wait3A_136 = tpu.memref_slice %arg6[%add3A_103, %dma_wait3A_135] : memref<16384x128xf32, #tpu.memory_space<hbm>> -> memref<128x128xf32, #tpu.memory_space<hbm>>
      %dma_wait3A_137 = arith.constant 0 : i32
      %dma_wait3A_138 = tpu.memref_slice %arg6[%add3A_103, %dma_wait3A_137] : memref<16384x128xf32, #tpu.memory_space<hbm>> -> memref<128x128xf32, #tpu.memory_space<hbm>>
      tpu.wait_dma2 semaphore(%run_scoped3A : memref<!tpu.dma_semaphore, #tpu.memory_space<semaphore_mem>>) src(%arg10 : memref<128x128xf32, #tpu.memory_space<vmem>>) dst(%dma_wait3A_138 : memref<128x128xf32, #tpu.memory_space<hbm>>)
      tpu.yield
    }) : () -> ()
    %dma_wait3A_104 = arith.constant 2 : i32
    %dma_wait3A_105 = arith.constant 0 : i32
    %dma_wait3A_106 = tpu.memref_slice %arg9[%dma_wait3A_104, %dma_wait3A_105] : memref<4x128xi32, #tpu.memory_space<vmem>> -> memref<1x128xi32, #tpu.memory_space<vmem>>
    %dma_wait3A_107 = tpu.memref_squeeze %dma_wait3A_106 : memref<1x128xi32, #tpu.memory_space<vmem>> -> memref<128xi32, #tpu.memory_space<vmem>>
    %dma_wait3A_108 = arith.constant 0 : i32
    %dma_wait3A_109 = arith.constant 0 : i32
    %dma_wait3A_110 = tpu.memref_slice %arg3[%dma_wait3A_108, %dma_wait3A_109] : memref<100000x128xf32, #tpu.memory_space<hbm>> -> memref<100000x128xf32, #tpu.memory_space<hbm>>
    tpu.wait_indirect_dma semaphore(%arg16 : memref<!tpu.dma_semaphore, #tpu.memory_space<semaphore_mem>>) src(%dma_wait3A_110 : memref<100000x128xf32, #tpu.memory_space<hbm>>) dst(%arg12 : memref<128x128xf32, #tpu.memory_space<vmem>>)
    %add3A_111 = arith.constant 256 : i32
    %add3A_112 = arith.addi %mul3A_4, %add3A_111 : i32
    "tpu.region"() ({
      %run_scoped3A = tpu.sem_alloc : memref<!tpu.dma_semaphore, #tpu.memory_space<semaphore_mem>>
      %dma_start3A_131 = arith.constant 0 : i32
      %dma_start3A_132 = tpu.memref_slice %arg7[%add3A_112, %dma_start3A_131] : memref<16384x128xf32, #tpu.memory_space<hbm>> -> memref<128x128xf32, #tpu.memory_space<hbm>>
      %dma_start3A_133 = arith.constant 0 : i32
      %dma_start3A_134 = tpu.memref_slice %arg7[%add3A_112, %dma_start3A_133] : memref<16384x128xf32, #tpu.memory_space<hbm>> -> memref<128x128xf32, #tpu.memory_space<hbm>>
      tpu.enqueue_dma source(%arg12 : memref<128x128xf32, #tpu.memory_space<vmem>>) target(%dma_start3A_134 : memref<128x128xf32, #tpu.memory_space<hbm>>) target_semaphore(%run_scoped3A : memref<!tpu.dma_semaphore, #tpu.memory_space<semaphore_mem>>)
      %dma_wait3A_135 = arith.constant 0 : i32
      %dma_wait3A_136 = tpu.memref_slice %arg7[%add3A_112, %dma_wait3A_135] : memref<16384x128xf32, #tpu.memory_space<hbm>> -> memref<128x128xf32, #tpu.memory_space<hbm>>
      %dma_wait3A_137 = arith.constant 0 : i32
      %dma_wait3A_138 = tpu.memref_slice %arg7[%add3A_112, %dma_wait3A_137] : memref<16384x128xf32, #tpu.memory_space<hbm>> -> memref<128x128xf32, #tpu.memory_space<hbm>>
      tpu.wait_dma2 semaphore(%run_scoped3A : memref<!tpu.dma_semaphore, #tpu.memory_space<semaphore_mem>>) src(%arg12 : memref<128x128xf32, #tpu.memory_space<vmem>>) dst(%dma_wait3A_138 : memref<128x128xf32, #tpu.memory_space<hbm>>)
      tpu.yield
    }) : () -> ()
    %dma_wait3A_113 = arith.constant 3 : i32
    %dma_wait3A_114 = arith.constant 0 : i32
    %dma_wait3A_115 = tpu.memref_slice %arg8[%dma_wait3A_113, %dma_wait3A_114] : memref<4x128xi32, #tpu.memory_space<vmem>> -> memref<1x128xi32, #tpu.memory_space<vmem>>
    %dma_wait3A_116 = tpu.memref_squeeze %dma_wait3A_115 : memref<1x128xi32, #tpu.memory_space<vmem>> -> memref<128xi32, #tpu.memory_space<vmem>>
    %dma_wait3A_117 = arith.constant 0 : i32
    %dma_wait3A_118 = arith.constant 0 : i32
    %dma_wait3A_119 = tpu.memref_slice %arg2[%dma_wait3A_117, %dma_wait3A_118] : memref<100000x128xf32, #tpu.memory_space<hbm>> -> memref<100000x128xf32, #tpu.memory_space<hbm>>
    tpu.wait_indirect_dma semaphore(%arg15 : memref<!tpu.dma_semaphore, #tpu.memory_space<semaphore_mem>>) src(%dma_wait3A_119 : memref<100000x128xf32, #tpu.memory_space<hbm>>) dst(%arg11 : memref<128x128xf32, #tpu.memory_space<vmem>>)
    %add3A_120 = arith.constant 384 : i32
    %add3A_121 = arith.addi %mul3A_4, %add3A_120 : i32
    "tpu.region"() ({
      %run_scoped3A = tpu.sem_alloc : memref<!tpu.dma_semaphore, #tpu.memory_space<semaphore_mem>>
      %dma_start3A_131 = arith.constant 0 : i32
      %dma_start3A_132 = tpu.memref_slice %arg6[%add3A_121, %dma_start3A_131] : memref<16384x128xf32, #tpu.memory_space<hbm>> -> memref<128x128xf32, #tpu.memory_space<hbm>>
      %dma_start3A_133 = arith.constant 0 : i32
      %dma_start3A_134 = tpu.memref_slice %arg6[%add3A_121, %dma_start3A_133] : memref<16384x128xf32, #tpu.memory_space<hbm>> -> memref<128x128xf32, #tpu.memory_space<hbm>>
      tpu.enqueue_dma source(%arg11 : memref<128x128xf32, #tpu.memory_space<vmem>>) target(%dma_start3A_134 : memref<128x128xf32, #tpu.memory_space<hbm>>) target_semaphore(%run_scoped3A : memref<!tpu.dma_semaphore, #tpu.memory_space<semaphore_mem>>)
      %dma_wait3A_135 = arith.constant 0 : i32
      %dma_wait3A_136 = tpu.memref_slice %arg6[%add3A_121, %dma_wait3A_135] : memref<16384x128xf32, #tpu.memory_space<hbm>> -> memref<128x128xf32, #tpu.memory_space<hbm>>
      %dma_wait3A_137 = arith.constant 0 : i32
      %dma_wait3A_138 = tpu.memref_slice %arg6[%add3A_121, %dma_wait3A_137] : memref<16384x128xf32, #tpu.memory_space<hbm>> -> memref<128x128xf32, #tpu.memory_space<hbm>>
      tpu.wait_dma2 semaphore(%run_scoped3A : memref<!tpu.dma_semaphore, #tpu.memory_space<semaphore_mem>>) src(%arg11 : memref<128x128xf32, #tpu.memory_space<vmem>>) dst(%dma_wait3A_138 : memref<128x128xf32, #tpu.memory_space<hbm>>)
      tpu.yield
    }) : () -> ()
    %dma_wait3A_122 = arith.constant 3 : i32
    %dma_wait3A_123 = arith.constant 0 : i32
    %dma_wait3A_124 = tpu.memref_slice %arg9[%dma_wait3A_122, %dma_wait3A_123] : memref<4x128xi32, #tpu.memory_space<vmem>> -> memref<1x128xi32, #tpu.memory_space<vmem>>
    %dma_wait3A_125 = tpu.memref_squeeze %dma_wait3A_124 : memref<1x128xi32, #tpu.memory_space<vmem>> -> memref<128xi32, #tpu.memory_space<vmem>>
    %dma_wait3A_126 = arith.constant 0 : i32
    %dma_wait3A_127 = arith.constant 0 : i32
    %dma_wait3A_128 = tpu.memref_slice %arg3[%dma_wait3A_126, %dma_wait3A_127] : memref<100000x128xf32, #tpu.memory_space<hbm>> -> memref<100000x128xf32, #tpu.memory_space<hbm>>
    tpu.wait_indirect_dma semaphore(%arg17 : memref<!tpu.dma_semaphore, #tpu.memory_space<semaphore_mem>>) src(%dma_wait3A_128 : memref<100000x128xf32, #tpu.memory_space<hbm>>) dst(%arg13 : memref<128x128xf32, #tpu.memory_space<vmem>>)
    %add3A_129 = arith.constant 384 : i32
    %add3A_130 = arith.addi %mul3A_4, %add3A_129 : i32
    "tpu.region"() ({
      %run_scoped3A = tpu.sem_alloc : memref<!tpu.dma_semaphore, #tpu.memory_space<semaphore_mem>>
      %dma_start3A_131 = arith.constant 0 : i32
      %dma_start3A_132 = tpu.memref_slice %arg7[%add3A_130, %dma_start3A_131] : memref<16384x128xf32, #tpu.memory_space<hbm>> -> memref<128x128xf32, #tpu.memory_space<hbm>>
      %dma_start3A_133 = arith.constant 0 : i32
      %dma_start3A_134 = tpu.memref_slice %arg7[%add3A_130, %dma_start3A_133] : memref<16384x128xf32, #tpu.memory_space<hbm>> -> memref<128x128xf32, #tpu.memory_space<hbm>>
      tpu.enqueue_dma source(%arg13 : memref<128x128xf32, #tpu.memory_space<vmem>>) target(%dma_start3A_134 : memref<128x128xf32, #tpu.memory_space<hbm>>) target_semaphore(%run_scoped3A : memref<!tpu.dma_semaphore, #tpu.memory_space<semaphore_mem>>)
      %dma_wait3A_135 = arith.constant 0 : i32
      %dma_wait3A_136 = tpu.memref_slice %arg7[%add3A_130, %dma_wait3A_135] : memref<16384x128xf32, #tpu.memory_space<hbm>> -> memref<128x128xf32, #tpu.memory_space<hbm>>
      %dma_wait3A_137 = arith.constant 0 : i32
      %dma_wait3A_138 = tpu.memref_slice %arg7[%add3A_130, %dma_wait3A_137] : memref<16384x128xf32, #tpu.memory_space<hbm>> -> memref<128x128xf32, #tpu.memory_space<hbm>>
      tpu.wait_dma2 semaphore(%run_scoped3A : memref<!tpu.dma_semaphore, #tpu.memory_space<semaphore_mem>>) src(%arg13 : memref<128x128xf32, #tpu.memory_space<vmem>>) dst(%dma_wait3A_138 : memref<128x128xf32, #tpu.memory_space<hbm>>)
      tpu.yield
    }) : () -> ()
    return
  }
}

module attributes {stable_mosaic.version = 14 : i64} {
  func.func @_tc_head_body(%arg0: i32, %arg1: memref<8192x128xf32, #tpu.memory_space<vmem>>, %arg2: memref<8192x128xf32, #tpu.memory_space<vmem>>, %arg3: memref<128x128xf32, #tpu.memory_space<vmem>>, %arg4: memref<128x128xf32, #tpu.memory_space<vmem>>, %arg5: memref<1x128xf32, #tpu.memory_space<vmem>>, %arg6: memref<128x16xf32, #tpu.memory_space<vmem>>, %arg7: memref<1x16xf32, #tpu.memory_space<vmem>>, %arg8: memref<16x1xf32, #tpu.memory_space<vmem>>, %arg9: memref<1xf32, #tpu.memory_space<smem>>, %arg10: memref<1x1x8192xf32, #tpu.memory_space<vmem>>) attributes {dimension_semantics = [#tpu.dimension_semantics<parallel>], iteration_bounds = array<i64: 2>, scalar_prefetch = 0 : i64, scratch_operands = 0 : i64, tpu.core_type = #tpu.core_type<tc>, window_params = [{transform_indices = @transform_0, window_bounds = array<i64: 8192, 128>}, {transform_indices = @transform_1, window_bounds = array<i64: 8192, 128>}, {pipeline_mode = #tpu.pipeline_mode<synchronous>, transform_indices = @transform_2, window_bounds = array<i64: 128, 128>}, {pipeline_mode = #tpu.pipeline_mode<synchronous>, transform_indices = @transform_3, window_bounds = array<i64: 128, 128>}, {pipeline_mode = #tpu.pipeline_mode<synchronous>, transform_indices = @transform_4, window_bounds = array<i64: 1, 128>}, {pipeline_mode = #tpu.pipeline_mode<synchronous>, transform_indices = @transform_5, window_bounds = array<i64: 128, 16>}, {pipeline_mode = #tpu.pipeline_mode<synchronous>, transform_indices = @transform_6, window_bounds = array<i64: 1, 16>}, {pipeline_mode = #tpu.pipeline_mode<synchronous>, transform_indices = @transform_7, window_bounds = array<i64: 16, 1>}, {transform_indices = @transform_8, window_bounds = array<i64: 1>}, {transform_indices = @transform_9, window_bounds = array<i64: 1, 1, 8192>}]} {
    %get3A = arith.constant 0 : index
    %get3A_0 = arith.constant 0 : index
    %get3A_1 = vector.load %arg1[%get3A, %get3A_0] : memref<8192x128xf32, #tpu.memory_space<vmem>>, vector<8192x128xf32>
    %get3A_2 = arith.constant 0 : index
    %get3A_3 = arith.constant 0 : index
    %get3A_4 = vector.load %arg2[%get3A_2, %get3A_3] : memref<8192x128xf32, #tpu.memory_space<vmem>>, vector<8192x128xf32>
    %get3A_5 = arith.constant 0 : index
    %get3A_6 = arith.constant 0 : index
    %get3A_7 = vector.load %arg3[%get3A_5, %get3A_6] : memref<128x128xf32, #tpu.memory_space<vmem>>, vector<128x128xf32>
    %dot_general3A = arith.constant dense<0.000000e+00> : vector<8192x128xf32>
    %dot_general3A_8 = tpu.matmul %get3A_1, %get3A_7, %dot_general3A {dimension_numbers = #tpu.dot_dimension_numbers<[1], [0], [0], [1], [0, 0, 1, 1], [], []>, transpose_lhs_hint = false} : vector<8192x128xf32>, vector<128x128xf32>, vector<8192x128xf32> -> vector<8192x128xf32>
    %get3A_9 = arith.constant 0 : index
    %get3A_10 = arith.constant 0 : index
    %get3A_11 = vector.load %arg4[%get3A_9, %get3A_10] : memref<128x128xf32, #tpu.memory_space<vmem>>, vector<128x128xf32>
    %dot_general3A_12 = arith.constant dense<0.000000e+00> : vector<8192x128xf32>
    %dot_general3A_13 = tpu.matmul %get3A_4, %get3A_11, %dot_general3A_12 {dimension_numbers = #tpu.dot_dimension_numbers<[1], [0], [0], [1], [0, 0, 1, 1], [], []>, transpose_lhs_hint = false} : vector<8192x128xf32>, vector<128x128xf32>, vector<8192x128xf32> -> vector<8192x128xf32>
    %add3A = arith.addf %dot_general3A_8, %dot_general3A_13 : vector<8192x128xf32>
    %get3A_14 = arith.constant 0 : index
    %get3A_15 = arith.constant 0 : index
    %get3A_16 = vector.load %arg5[%get3A_14, %get3A_15] : memref<1x128xf32, #tpu.memory_space<vmem>>, vector<1x128xf32>
    %add3A_17 = vector.broadcast %get3A_16 : vector<1x128xf32> to vector<8192x128xf32>
    %add3A_18 = arith.addf %add3A, %add3A_17 : vector<8192x128xf32>
    %max3A = arith.constant 0.000000e+00 : f32
    %max3A_19 = vector.broadcast %max3A : f32 to vector<8192x128xf32>
    %max3A_20 = arith.maximumf %add3A_18, %max3A_19 : vector<8192x128xf32>
    %get3A_21 = arith.constant 0 : index
    %get3A_22 = arith.constant 0 : index
    %get3A_23 = vector.load %arg6[%get3A_21, %get3A_22] : memref<128x16xf32, #tpu.memory_space<vmem>>, vector<128x16xf32>
    %dot_general3A_24 = arith.constant dense<0.000000e+00> : vector<8192x16xf32>
    %dot_general3A_25 = tpu.matmul %max3A_20, %get3A_23, %dot_general3A_24 {dimension_numbers = #tpu.dot_dimension_numbers<[1], [0], [0], [1], [0, 0, 1, 1], [], []>, transpose_lhs_hint = false} : vector<8192x128xf32>, vector<128x16xf32>, vector<8192x16xf32> -> vector<8192x16xf32>
    %get3A_26 = arith.constant 0 : index
    %get3A_27 = arith.constant 0 : index
    %get3A_28 = vector.load %arg7[%get3A_26, %get3A_27] : memref<1x16xf32, #tpu.memory_space<vmem>>, vector<1x16xf32>
    %add3A_29 = vector.broadcast %get3A_28 : vector<1x16xf32> to vector<8192x16xf32>
    %add3A_30 = arith.addf %dot_general3A_25, %add3A_29 : vector<8192x16xf32>
    %max3A_31 = arith.constant 0.000000e+00 : f32
    %max3A_32 = vector.broadcast %max3A_31 : f32 to vector<8192x16xf32>
    %max3A_33 = arith.maximumf %add3A_30, %max3A_32 : vector<8192x16xf32>
    %get3A_34 = arith.constant 0 : index
    %get3A_35 = arith.constant 0 : index
    %get3A_36 = vector.load %arg8[%get3A_34, %get3A_35] : memref<16x1xf32, #tpu.memory_space<vmem>>, vector<16x1xf32>
    %dot_general3A_37 = arith.constant dense<0.000000e+00> : vector<8192x1xf32>
    %dot_general3A_38 = tpu.matmul %max3A_33, %get3A_36, %dot_general3A_37 {dimension_numbers = #tpu.dot_dimension_numbers<[1], [0], [0], [1], [0, 0, 1, 1], [], []>, transpose_lhs_hint = false} : vector<8192x16xf32>, vector<16x1xf32>, vector<8192x1xf32> -> vector<8192x1xf32>
    %mul3A = arith.mulf %get3A_1, %get3A_4 : vector<8192x128xf32>
    %reduce_sum3A = arith.constant dense<0.000000e+00> : vector<8192xf32>
    %reduce_sum3A_39 = vector.multi_reduction <add>, %mul3A, %reduce_sum3A [1] : vector<8192x128xf32> to vector<8192xf32>
    %broadcast_in_dim3A = vector.shape_cast %reduce_sum3A_39 : vector<8192xf32> to vector<8192x1xf32>
    %add3A_40 = arith.addf %broadcast_in_dim3A, %dot_general3A_38 : vector<8192x1xf32>
    %get3A_41 = arith.constant 0 : index
    %get3A_42 = memref.load %arg9[%get3A_41] : memref<1xf32, #tpu.memory_space<smem>>
    %add3A_43 = vector.broadcast %get3A_42 : f32 to vector<8192x1xf32>
    %add3A_44 = arith.addf %add3A_40, %add3A_43 : vector<8192x1xf32>
    %transpose3A = tpu.transpose %add3A_44, [1, 0] : vector<8192x1xf32> -> vector<1x8192xf32>
    %logistic3A = arith.negf %transpose3A : vector<1x8192xf32>
    %logistic3A_45 = math.exp %logistic3A : vector<1x8192xf32>
    %logistic3A_46 = arith.constant 1.000000e+00 : f32
    %logistic3A_47 = vector.broadcast %logistic3A_46 : f32 to vector<1x8192xf32>
    %logistic3A_48 = arith.addf %logistic3A_47, %logistic3A_45 : vector<1x8192xf32>
    %logistic3A_49 = arith.divf %logistic3A_47, %logistic3A_48 : vector<1x8192xf32>
    %broadcast_in_dim3A_50 = vector.shape_cast %logistic3A_49 : vector<1x8192xf32> to vector<1x1x8192xf32>
    %swap3A = arith.constant 0 : index
    %swap3A_51 = arith.constant 0 : index
    %swap3A_52 = arith.constant 0 : index
    %swap3A_53 = vector.load %arg10[%swap3A, %swap3A_51, %swap3A_52] : memref<1x1x8192xf32, #tpu.memory_space<vmem>>, vector<1x1x8192xf32>
    tpu.vector_store %arg10[%swap3A, %swap3A_51, %swap3A_52], %broadcast_in_dim3A_50 {strides = array<i32>} : memref<1x1x8192xf32, #tpu.memory_space<vmem>>, vector<1x1x8192xf32>,
    return
  }
  func.func @transform_0(%arg0: i32) -> (i32, i32) {
    %c0_i32 = arith.constant 0 : i32
    %c0_i32_0 = arith.constant 0 : i32
    return %arg0, %c0_i32 : i32, i32
  }
  func.func @transform_1(%arg0: i32) -> (i32, i32) {
    %c0_i32 = arith.constant 0 : i32
    %c0_i32_0 = arith.constant 0 : i32
    return %arg0, %c0_i32 : i32, i32
  }
  func.func @transform_2(%arg0: i32) -> (i32, i32) {
    %c0_i32 = arith.constant 0 : i32
    %c0_i32_0 = arith.constant 0 : i32
    %c0_i32_1 = arith.constant 0 : i32
    return %c0_i32, %c0_i32_0 : i32, i32
  }
  func.func @transform_3(%arg0: i32) -> (i32, i32) {
    %c0_i32 = arith.constant 0 : i32
    %c0_i32_0 = arith.constant 0 : i32
    %c0_i32_1 = arith.constant 0 : i32
    return %c0_i32, %c0_i32_0 : i32, i32
  }
  func.func @transform_4(%arg0: i32) -> (i32, i32) {
    %c0_i32 = arith.constant 0 : i32
    %c0_i32_0 = arith.constant 0 : i32
    %c0_i32_1 = arith.constant 0 : i32
    return %c0_i32, %c0_i32_0 : i32, i32
  }
  func.func @transform_5(%arg0: i32) -> (i32, i32) {
    %c0_i32 = arith.constant 0 : i32
    %c0_i32_0 = arith.constant 0 : i32
    %c0_i32_1 = arith.constant 0 : i32
    return %c0_i32, %c0_i32_0 : i32, i32
  }
  func.func @transform_6(%arg0: i32) -> (i32, i32) {
    %c0_i32 = arith.constant 0 : i32
    %c0_i32_0 = arith.constant 0 : i32
    %c0_i32_1 = arith.constant 0 : i32
    return %c0_i32, %c0_i32_0 : i32, i32
  }
  func.func @transform_7(%arg0: i32) -> (i32, i32) {
    %c0_i32 = arith.constant 0 : i32
    %c0_i32_0 = arith.constant 0 : i32
    %c0_i32_1 = arith.constant 0 : i32
    return %c0_i32, %c0_i32_0 : i32, i32
  }
  func.func @transform_8(%arg0: i32) -> i32 {
    %c0_i32 = arith.constant 0 : i32
    %c0_i32_0 = arith.constant 0 : i32
    return %c0_i32 : i32
  }
  func.func @transform_9(%arg0: i32) -> (i32, i32, i32) {
    %c0_i32 = arith.constant 0 : i32
    %c0_i32_0 = arith.constant 0 : i32
    %c0_i32_1 = arith.constant 0 : i32
    return %arg0, %c0_i32, %c0_i32_0 : i32, i32, i32
  }
}

</mosaic_0001>

<sc_bundles>
// kernel: kernel.4.cloned.1.call-start
scs
__scs_entry_jumppad:
0x0: {  	(pc) =	sbr.rel $0x88, $3  }
0x1: {  	(tag) =	ssettag $0x0;
	lr =	simm.s32 $0x1  }
0x2: {  	[smem:$0x3F97] =	sst lr;
	_ =	strace $0xD0000000  }
0x3: {  	_ = 	snop  }
0x4: {  	_ = 	snop  }
0x5: {  	_ = 	snop  }
0x6: {  	_ = 	snop  }
0x7: {  	_ = 	snop  }
__scs_overlays_trampoline_lowered:
0x8: {  	[smem:$0x3FA6] =	sst s0  }
0x9: {  	[smem:$0x3FA7] =	sst s1  }
0xa: {  	[smem:$0x3FA8] =	sst s2  }
0xb: {  	[smem:$0x3FA9] =	sst s3  }
0xc: {  	[smem:$0x3FAA] =	sst s4  }
0xd: {  	[smem:$0x3FAB] =	sst s5  }
0xe: {  	[smem:$0x3FAC] =	sst s6  }
0xf: {  	[smem:$0x3FAD] =	sst s7  }
0x10: {  	[smem:$0x3FAE] =	sst s8  }
0x11: {  	[smem:$0x3FAF] =	sst s9;
	s0 =	simm.s32 @!p0 $0x0  }
0x12: {  	s1 =	sld [smem:$0x3F95];
	s0 =	simm.s32 @p0 $0x1  }
0x13: {  	[smem:$0x3FB0] =	sst s0;
	s0 =	simm.s32 @!p1 $0x0  }
0x14: {  	s2 =	sld [smem:$0x3F94];
	s0 =	simm.s32 @p1 $0x1  }
0x15: {  	[smem:$0x3FB1] =	sst s0;
	s0 =	simm.s32 @!p2 $0x0  }
0x16: {  	s3 =	sld [smem:$0x3FDB];
	s0 =	simm.s32 @p2 $0x1  }
0x17: {  	s4 =	simm.s32 $0x1BF5;
	[smem:$0x3FB3] =	sst s0  }
0x18: {  	s0 =	sld [smem:$0x3F96];
	_ =	swait.ge [sflag:s4], $0x0  }
0x19: {  	s7 =	sld [smem:$0x3F97]  }
0x1a: {  	s8 =	sadd.s32 $0xFFFFE003, lr  }
0x1b: {  	s9 =	sadd.s32 $0xFFFFFEF7, lr;
	s5 =	simm.s32 $0xFFFFFFFF;
	p2 =	slt.u32 s8, $0xFFFFF086  }
0x1c: {  	p1 =	slt.u32 s9, $0xF7A;
	s5 =	simm.s32 @!p2 $0x0  }
0x1d: {  	s5 =	simm.s32 @p1 $0x1;
	p0 =	seq.s32 s7, s2  }
0x1e: {  	s7 =	smul.u32 @!p0 $0xF7A, s2;
	p2 =	seq.s32 @!p0 s5, $0x0  }
0x1f: {  	s9 =	smul.u32 $0xF7A, s1;
	s8 =	simm.s32 @!p0 $0x1BF5;
	p2 =	por !p2, p0  }
0x20: {  	[sflag:s8] =	ssyncset.s32 @!p0 $0xFFFFF086;
	s6 =	sadd.s32 @!p0 s3, s7;
	s7 =	simm.s32 @!p0 $0x108  }
0x21: {  	s3 =	sadd.s32 s3, s9;
	s6 =	sadd.s32 @!p0 $0x88, s6;
	s7 =	simm.s32 @p2 $0x1082  }
0x22: {  	[simem:s7], [sflag:s8] =	dma.local @!p0 [hbm:s6], $0xF7A  }
0x23: {  	s9 =	sor.u32 $0xD0000000, s2;
	s6 =	simm.s32 $0x108;
	_ =	swait.ge @!p0 [sflag:s8], $0x0  }
0x24: {  	s3 =	sadd.s32 $0x88, s3;
	s6 =	simm.s32 @!p1 $0x1082;
	[sflag:s4] =	ssyncset.s32 $0xFFFFF086  }
0x25: {  	[simem:s6], [sflag:s4] =	dma.local [hbm:s3], $0xF7A  }
0x26: {  	[smem:$0x3F97] =	sst s1;
	(tag) =	ssettag s2;
	_ =	strace s9  }
0x27: {  	s1 =	sld [smem:$0x3FA7]  }
0x28: {  	s2 =	sld [smem:$0x3FA8]  }
0x29: {  	s4 =	sld [smem:$0x3FAA]  }
0x2a: {  	p0 =	seq.s32 s5, $0x0;
	s5 =	sld [smem:$0x3FAB]  }
0x2b: {  	s6 =	sld [smem:$0x3FAC]  }
0x2c: {  	s7 =	sld [smem:$0x3FAD]  }
0x2d: {  	s3 =	simm.s32 $0x108;
	s8 =	sld [smem:$0x3FAE]  }
0x2e: {  	s3 =	simm.s32 @!p0 $0x1082;
	s9 =	sld [smem:$0x3FAF]  }
0x2f: {  	lr =	sadd.s32 s0, s3;
	s0 =	sld [smem:$0x3FA6]  }
0x30: {  	s3 =	sld [smem:$0x3FA9]  }
0x31: {  	[smem:$0x3FB2] =	sst s10  }
0x32: {  	s10 =	sld [smem:$0x3FB0];
	_ =	sdelay $0x3  }
0x33: {  	p0 =	seq.s32 s10, $0x1;
	s10 =	sld [smem:$0x3FB2];
	_ =	sdelay $0x3  }
0x34: {  	[smem:$0x3FB2] =	sst s10  }
0x35: {  	s10 =	sld [smem:$0x3FB1];
	_ =	sdelay $0x3  }
0x36: {  	p1 =	seq.s32 s10, $0x1;
	s10 =	sld [smem:$0x3FB2];
	_ =	sdelay $0x3  }
0x37: {  	[smem:$0x3FB2] =	sst s10  }
0x38: {  	s10 =	sld [smem:$0x3FB3]  }
0x39: {  	_ = 	snop;
	(pc) =	sbr.ind lr, $3  }
0x3a: {  	_ = 	snop  }
0x3b: {  	_ = 	snop  }
0x3c: {  	p2 =	seq.s32 s10, $0x1;
	s10 =	sld [smem:$0x3FB2]  }
0x3d: {  	_ =	shalt  }
0x3e: {  	_ =	shalt  }
0x3f: {  	_ =	shalt  }
0x40: {  	_ =	shalt  }
0x41: {  	_ =	shalt  }
0x42: {  	_ =	shalt  }
0x43: {  	_ =	shalt  }
0x44: {  	_ =	shalt  }
0x45: {  	_ =	shalt  }
0x46: {  	_ =	shalt  }
0x47: {  	_ =	shalt  }
0x48: {  	_ =	shalt  }
0x49: {  	_ =	shalt  }
0x4a: {  	_ =	shalt  }
0x4b: {  	_ =	shalt  }
0x4c: {  	_ =	shalt  }
0x4d: {  	_ =	shalt  }
0x4e: {  	_ =	shalt  }
0x4f: {  	_ =	shalt  }
0x50: {  	_ =	shalt  }
0x51: {  	_ =	shalt  }
0x52: {  	_ =	shalt  }
0x53: {  	_ =	shalt  }
0x54: {  	_ =	shalt  }
0x55: {  	_ =	shalt  }
0x56: {  	_ =	shalt  }
0x57: {  	_ =	shalt  }
0x58: {  	_ =	shalt  }
0x59: {  	_ =	shalt  }
0x5a: {  	_ =	shalt  }
0x5b: {  	_ =	shalt  }
0x5c: {  	_ =	shalt  }
0x5d: {  	_ =	shalt  }
0x5e: {  	_ =	shalt  }
0x5f: {  	_ =	shalt  }
0x60: {  	_ =	shalt  }
0x61: {  	_ =	shalt  }
0x62: {  	_ =	shalt  }
0x63: {  	_ =	shalt  }
0x64: {  	_ =	shalt  }
0x65: {  	_ =	shalt  }
0x66: {  	_ =	shalt  }
0x67: {  	_ =	shalt  }
0x68: {  	_ =	shalt  }
0x69: {  	_ =	shalt  }
0x6a: {  	_ =	shalt  }
0x6b: {  	_ =	shalt  }
0x6c: {  	_ =	shalt  }
0x6d: {  	_ =	shalt  }
0x6e: {  	_ =	shalt  }
0x6f: {  	_ =	shalt  }
0x70: {  	_ =	shalt  }
0x71: {  	_ =	shalt  }
0x72: {  	_ =	shalt  }
0x73: {  	_ =	shalt  }
0x74: {  	_ =	shalt  }
0x75: {  	_ =	shalt  }
0x76: {  	_ =	shalt  }
0x77: {  	_ =	shalt  }
0x78: {  	_ =	shalt  }
0x79: {  	_ =	shalt  }
0x7a: {  	_ =	shalt  }
0x7b: {  	_ =	shalt  }
0x7c: {  	_ =	shalt  }
0x7d: {  	_ =	shalt  }
0x7e: {  	_ =	shalt  }
0x7f: {  	_ =	shalt  }
0x80: {  	_ =	shalt  }
0x81: {  	_ =	shalt  }
0x82: {  	_ =	shalt  }
0x83: {  	_ =	shalt  }
0x84: {  	_ =	shalt  }
0x85: {  	_ =	shalt  }
0x86: {  	_ =	shalt  }
0x87: {  	_ =	shalt  }
.Lfunc_end0:
.L_simem_size_0:
called_computation_lowered:
.L_overlay_start_0:
0x88: {  	s2 =	sld [smem:$0x3FD9]  }
0x89: {  	s3 =	sld [smem:$0x3FFE];
	_ =	sdelay $0x1  }
0x8a: {  	s1 =	srdreg.scid  }
0x8b: {  	s0 =	sand.u32 $0x1, s1  }
0x8c: {  	s17 =	sshll.u32 s0, $0xA;
	s2 =	sadd.s32 s3, s2  }
0x8d: {  	s2 =	sadd.s32 s2, s17  }
0x8e: {  	[smem:$0x3FBE] =	sst s2  }
0x8f: {  	_ = 	snop  }
0x90: {  	s2 =	sld [smem:$0x3FC9]  }
0x91: {  	s18 =	sld [smem:$0x3FC8]  }
0x92: {  	s4 =	sld [smem:$0x3FC7]  }
0x93: {  	s5 =	sld [smem:$0x3FC6];
	(tm) =	ssettm $0x1  }
0x94: {  	s6 =	sld [smem:$0x3FFB];
	_ =	sdelay $0x3  }
0x95: {  	_ =	strace s6  }
0x96: {  	s6 =	sld [smem:$0x3FFC];
	_ =	sdelay $0x3  }
0x97: {  	_ =	strace s6  }
0x98: {  	s6 =	sld [smem:$0x3FFD];
	_ =	sdelay $0x3  }
0x99: {  	_ =	strace s6  }
0x9a: {  	_ =	strace $0x8FFFFFFF  }
0x9b: {  	s19 =	sld [smem:$0x3FDB];
	_ =	sdelay $0x1  }
0x9c: {  	s7 =	simm.s32 $_scs_section_size  }
0x9d: {  	s8 =	simm.s32 $_size__tile_overlayer_lowered;
	s9 =	simm.s32 $_tile_overlayer_lowered  }
0x9e: {  	s22 =	simm.s32 $0x1BFF;
	s21 =	sshll.u32 s9, $0x1;
	s6 =	sadd.s32 s7, s19  }
0x9f: {  	s10 =	simm.s32 $0x0;
	s20 =	sshll.u32 s8, $0x1;
	s8 =	sadd.s32 s21, s6  }
0xa0: {  	[timem:s10], [sflag:s22] =	dma.local [hbm:s8], s20  }
0xa1: {  	_ =	swait.ge [sflag:s22], s20  }
0xa2: {  	s7 =	ssub.s32 $0x0, s20;
	[sflag:s22] =	ssyncset.done $0x0  }
0xa3: {  	[sflag:s22] =	ssyncadd.s32 s7;
	_ =	sdelay $0x1  }
0xa4: {  	s23 =	simm.s32 $0x1B8B  }
0xa5: {  	_ =	swait.ge [sflag:s23], $0x1  }
0xa6: {  	[sflag:s23] =	ssyncset.done $0x0  }
0xa7: {  	s25 =	simm.s32 $0x1B8E;
	s24 =	sld [smem:$0x3FFE];
	[sflag:s23] =	ssyncadd.s32 $0xFFFFFFFF  }
0xa8: {  	s26 =	simm.s32 $execute0_lowered;
	[smem:$0x3FD2] =	sst s25  }
0xa9: {  	s8 =	sshll.u32 s26, $0x1;
	_ =	strace $0x80000046;
	[dreg:$0x1] =	wrdreg $0xFFFFFFFF  }
0xaa: {  	s28 =	simm.s32 $_size_execute0_lowered;
	s6 =	sadd.s32 s6, s8;
	[dreg:$0x0] =	wrdreg $0x0  }
0xab: {  	s8 =	sshll.u32 s28, $0x1;
	[dreg:$0x2] =	wrdreg s6  }
0xac: {  	[dreg:$0x3] =	wrdreg s8  }
0xad: {  	[dreg:$0x4] =	wrdreg $0xC0  }
0xae: {  	_ =	task [dreg:s10], $0x5FFFF  }
0xaf: {  	[dreg:$0x1] =	wrdreg $0xFFFFFFFF  }
0xb0: {  	[dreg:$0x0] =	wrdreg $0x60  }
0xb1: {  	[dreg:$0x2] =	wrdreg s4  }
0xb2: {  	[dreg:$0x3] =	wrdreg s5  }
0xb3: {  	[dreg:$0x4] =	wrdreg s2  }
0xb4: {  	[dreg:$0x5] =	wrdreg s18  }
0xb5: {  	[dreg:$0x6] =	wrdreg s24  }
0xb6: {  	[dreg:$0x7] =	wrdreg $0x9  }
0xb7: {  	_ =	task.clear_ibuf [dreg:s10], $0x8FFFF;
	_ =	strace $0x90000046  }
0xb8: {  	s29 =	simm.s32 $0x9;
	_ =	strace $0x80000048  }
0xb9: {  	_ =	swait.ge [sflag:s29], $0x1  }
0xba: {  	[sflag:s29] =	ssyncadd.s32 $0xFFFFFFFF  }
0xbb: {  	_ =	strace $0x90000048  }
0xbc: {  	_ =	sfence  }
0xbd: {  	s30 =	sld [smem:$0x0];
	_ =	sdelay $0x2  }
0xbe: {  	s31 =	sshll.u32 s1, $0xD;
	s1 =	sshrl.u32 s1, $0x2  }
0xbf: {  	s3 =	sand.u32 $0x4000, s31;
	s1 =	sadd.s32 s1, s30  }
0xc0: {  	s0 =	sor.u32 s3, s0;
	s1 =	sshll.u32 s1, $0x11  }
0xc1: {  	s0 =	sor.u32 s1, s0  }
0xc2: {  	s0 =	sadd.s32 $0x8F2B, s0  }
0xc3: {  	[sflag:s0] =	ssyncadd.remote.s32 $0x1  }
0xc4: {  	_ =	sfence.sel $0xFFFF  }
0xc5: {  	[dreg:$0x0] =	wrdreg $0xFFFFFFFF;
	(pc) =	sbr.abs _section_cstart, $3  }
0xc6: {  	[dreg:$0x1] =	wrdreg $0xFFFFFFFF  }
0xc7: {  	_ =	task.clear_ibuf [dreg:s10], $0x2FFFF;
	_ =	strace $0x9FFFFFFF  }
0xc8: {  	(tm) =	ssettm $0x7FFFFFFF  }
0xc9: {  	_ =	shalt  }
tec
execute0_lowered:
.L_overlay_start_1:
0x0: {  	(tag) =	ssettag $0x1  }
0x1: {  	s1 =	rddreg [dreg:$0x0]  }
0x2: {  	s3 =	rddreg [dreg:$0x1];
	s4 =	srdreg.scid  }
0x3: {  	s0 =	rddreg [dreg:$0x2];
	s2 =	stileid.u32;
	s30 =	sand.u32 $0x1, s4  }
0x4: {  	s6 =	rddreg [dreg:$0x3];
	s5 =	sshll.u32 s2, $0x7;
	s7 =	sshll.u32 s30, $0x6  }
0x5: {  	s18 =	rddreg [dreg:$0x4];
	s4 =	simm.s32 $0x0;
	s7 =	sor.u32 s7, s5  }
0x6: {  	[smem:$0x7FF] =	sst s4;
	s0 =	sadd.s32 s0, s7  }
0x7: {  	_ =	strace $0x80000047;
	[dreg:$0x6] =	wrdreg s0  }
0x8: {  	s5 =	simm.s32 $0x5;
	s0 =	rddreg [dreg:$0x6]  }
0x9: {  	[tilespmem:s4], [sflag:$0x5] =	stream.linear.gather [hbm4b:s0+s4], $0x200, $0x38;
	[tilespmem:$0x10400] =	vst v63  }
0xa: {  	_ =	swait.ge [sflag:s5], $0x200  }
0xb: {  	[sflag:s5] =	ssyncset.done $0x0  }
0xc: {  	s6 =	sadd.s32 s6, s7;
	s7 =	simm.s32 $0x200;
	[sflag:s5] =	ssyncadd.s32 $0xFFFFFE00  }
0xd: {  	[tilespmem:s7], [sflag:$0x5] =	stream.linear.gather [hbm4b:s6+s4], $0x200, $0x38;
	[tilespmem:$0x10400] =	vst v63  }
0xe: {  	_ =	swait.ge [sflag:s5], $0x200  }
0xf: {  	[sflag:s5] =	ssyncset.done $0x0  }
0x10: {  	s8 =	simm.s32 $0x80;
	s9 =	simm.s32 $0x400;
	[sflag:s5] =	ssyncadd.s32 $0xFFFFFE00  }
0x11: {  	[tilespmem:s9], [sflag:$0x1] =	stream.indirect.gather [hbm4b:s1+s8], $0x80, s4, s8, $0xb8;
	[tilespmem:$0x10400] =	vst v63  }
0x12: {  	s10 =	simm.s32 $0x4400  }
0x13: {  	[tilespmem:s10], [sflag:$0x2] =	stream.indirect.gather [hbm4b:s1+s8], $0x80, s8, s8, $0xb8;
	[tilespmem:$0x10400] =	vst v63  }
0x14: {  	s11 =	simm.s32 $0x8400  }
0x15: {  	[tilespmem:s11], [sflag:$0x3] =	stream.indirect.gather [hbm4b:s3+s8], $0x80, s7, s8, $0xb8;
	[tilespmem:$0x10400] =	vst v63  }
0x16: {  	s12 =	simm.s32 $0x280;
	s13 =	simm.s32 $0xC400;
	s14 =	simm.s32 $0x1  }
0x17: {  	[tilespmem:s13], [sflag:$0x4] =	stream.indirect.gather [hbm4b:s3+s8], $0x80, s12, s8, $0xb8;
	[tilespmem:$0x10400] =	vst v63  }
0x18: {  	s26 =	sshll.u32 s2, $0xE;
	s15 =	sshll.u32 s30, $0xD;
	_ =	swait.ge [sflag:s14], $0x4000  }
0x19: {  	s29 =	sadd.s32 $0x1800, s18;
	s0 =	sor.u32 s15, s26;
	[sflag:s14] =	ssyncset.done $0x0  }
0x1a: {  	s15 =	sadd.s32 s29, s0;
	[sflag:s14] =	ssyncadd.s32 $0xFFFFC000  }
0x1b: {  	[hbm4b:s15+s4] =	stream.linear.scatter [tilespmem:s9], [sflag:$0x5], $0x4000, $0x38;
	[tilespmem:$0x10400] =	vst v63  }
0x1c: {  	_ =	swait.ge [sflag:s5], $0x4000  }
0x1d: {  	[sflag:s5] =	ssyncset.done $0x0  }
0x1e: {  	s16 =	simm.s32 $0x100;
	s17 =	simm.s32 $0x3;
	[sflag:s5] =	ssyncadd.s32 $0xFFFFC000  }
0x1f: {  	[tilespmem:s9], [sflag:$0x1] =	stream.indirect.gather [hbm4b:s1+s8], $0x80, s16, s8, $0xb8;
	[tilespmem:$0x10400] =	vst v63  }
0x20: {  	_ =	swait.ge [sflag:s17], $0x4000  }
0x21: {  	s31 =	sadd.s32 $0x41800, s18;
	[sflag:s17] =	ssyncset.done $0x0  }
0x22: {  	s18 =	sadd.s32 s31, s0;
	[sflag:s17] =	ssyncadd.s32 $0xFFFFC000  }
0x23: {  	[hbm4b:s18+s4] =	stream.linear.scatter [tilespmem:s11], [sflag:$0x5], $0x4000, $0x38;
	[tilespmem:$0x10400] =	vst v63  }
0x24: {  	_ =	swait.ge [sflag:s5], $0x4000  }
0x25: {  	[sflag:s5] =	ssyncset.done $0x0  }
0x26: {  	s19 =	simm.s32 $0x300;
	s20 =	simm.s32 $0x2;
	[sflag:s5] =	ssyncadd.s32 $0xFFFFC000  }
0x27: {  	[tilespmem:s11], [sflag:$0x3] =	stream.indirect.gather [hbm4b:s3+s8], $0x80, s19, s8, $0xb8;
	[tilespmem:$0x10400] =	vst v63  }
0x28: {  	_ =	swait.ge [sflag:s20], $0x4000  }
0x29: {  	s24 =	sor.u32 $0x800, s0;
	[sflag:s20] =	ssyncset.done $0x0  }
0x2a: {  	s21 =	sadd.s32 s29, s24;
	[sflag:s20] =	ssyncadd.s32 $0xFFFFC000  }
0x2b: {  	[hbm4b:s21+s4] =	stream.linear.scatter [tilespmem:s10], [sflag:$0x5], $0x4000, $0x38;
	[tilespmem:$0x10400] =	vst v63  }
0x2c: {  	_ =	swait.ge [sflag:s5], $0x4000  }
0x2d: {  	[sflag:s5] =	ssyncset.done $0x0  }
0x2e: {  	s22 =	simm.s32 $0x180;
	s23 =	simm.s32 $0x4;
	[sflag:s5] =	ssyncadd.s32 $0xFFFFC000  }
0x2f: {  	[tilespmem:s10], [sflag:$0x2] =	stream.indirect.gather [hbm4b:s1+s8], $0x80, s22, s8, $0xb8;
	[tilespmem:$0x10400] =	vst v63  }
0x30: {  	_ =	swait.ge [sflag:s23], $0x4000  }
0x31: {  	[sflag:s23] =	ssyncset.done $0x0  }
0x32: {  	s24 =	sadd.s32 s31, s24;
	[sflag:s23] =	ssyncadd.s32 $0xFFFFC000  }
0x33: {  	[hbm4b:s24+s4] =	stream.linear.scatter [tilespmem:s13], [sflag:$0x5], $0x4000, $0x38;
	[tilespmem:$0x10400] =	vst v63  }
0x34: {  	_ =	swait.ge [sflag:s5], $0x4000  }
0x35: {  	[sflag:s5] =	ssyncset.done $0x0  }
0x36: {  	s25 =	simm.s32 $0x380;
	[sflag:s5] =	ssyncadd.s32 $0xFFFFC000  }
0x37: {  	[tilespmem:s13], [sflag:$0x4] =	stream.indirect.gather [hbm4b:s3+s8], $0x80, s25, s8, $0xb8;
	[tilespmem:$0x10400] =	vst v63  }
0x38: {  	_ =	swait.ge [sflag:s14], $0x4000  }
0x39: {  	s28 =	sor.u32 $0x1000, s0;
	[sflag:s14] =	ssyncset.done $0x0  }
0x3a: {  	s26 =	sadd.s32 s29, s28;
	[sflag:s14] =	ssyncadd.s32 $0xFFFFC000  }
0x3b: {  	[hbm4b:s26+s4] =	stream.linear.scatter [tilespmem:s9], [sflag:$0x5], $0x4000, $0x38;
	[tilespmem:$0x10400] =	vst v63  }
0x3c: {  	_ =	swait.ge [sflag:s5], $0x4000  }
0x3d: {  	[sflag:s5] =	ssyncset.done $0x0  }
0x3e: {  	[sflag:s5] =	ssyncadd.s32 $0xFFFFC000  }
0x3f: {  	_ =	swait.ge [sflag:s17], $0x4000  }
0x40: {  	[sflag:s17] =	ssyncset.done $0x0  }
0x41: {  	s28 =	sadd.s32 s31, s28;
	[sflag:s17] =	ssyncadd.s32 $0xFFFFC000  }
0x42: {  	[hbm4b:s28+s4] =	stream.linear.scatter [tilespmem:s11], [sflag:$0x5], $0x4000, $0x38;
	[tilespmem:$0x10400] =	vst v63  }
0x43: {  	_ =	swait.ge [sflag:s5], $0x4000  }
0x44: {  	[sflag:s5] =	ssyncset.done $0x0  }
0x45: {  	[sflag:s5] =	ssyncadd.s32 $0xFFFFC000  }
0x46: {  	_ =	swait.ge [sflag:s20], $0x4000  }
0x47: {  	s30 =	ssub.s32 $0x2, s30;
	s0 =	sor.u32 $0x1800, s0;
	[sflag:s20] =	ssyncset.done $0x0  }
0x48: {  	s2 =	sshrl.u32 s30, $0x1;
	s29 =	sadd.s32 s29, s0;
	[sflag:s20] =	ssyncadd.s32 $0xFFFFC000  }
0x49: {  	[hbm4b:s29+s4] =	stream.linear.scatter [tilespmem:s10], [sflag:$0x5], $0x4000, $0x38;
	[tilespmem:$0x10400] =	vst v63  }
0x4a: {  	s2 =	ssub.s32 s30, s2;
	_ =	swait.ge [sflag:s5], $0x4000  }
0x4b: {  	s2 =	smax.u32 s2, $0x1;
	[sflag:s5] =	ssyncset.done $0x0  }
0x4c: {  	p0 =	sne.s32 s2, $0x1;
	[sflag:s5] =	ssyncadd.s32 $0xFFFFC000  }
.Ltmp0:
0x4d: {  	_ =	swait.ge [sflag:s23], $0x4000;
	(pc) =	sbr.rel @!p0 .LBB2_2-.Ltmp0, $4  }
0x4e: {  	[sflag:s23] =	ssyncset.done $0x0  }
0x4f: {  	s30 =	sadd.s32 s31, s0;
	[sflag:s23] =	ssyncadd.s32 $0xFFFFC000  }
0x50: {  	[hbm4b:s30+s4] =	stream.linear.scatter [tilespmem:s13], [sflag:$0x5], $0x4000, $0x38;
	[tilespmem:$0x10400] =	vst v63  }
0x51: {  	s31 =	sadd.s32 $0xFFFFFFFF, s2;
	_ =	swait.ge [sflag:s5], $0x4000  }
.LBB2_1:
0x52: {  	[sflag:s5] =	ssyncset.done $0x0  }
0x53: {  	s0 =	rddreg [dreg:$0x6];
	[sflag:s5] =	ssyncadd.s32 $0xFFFFC000  }
0x54: {  	[tilespmem:s4], [sflag:$0x5] =	stream.linear.gather [hbm4b:s0+s4], $0x200, $0x38;
	[tilespmem:$0x10400] =	vst v63  }
0x55: {  	_ =	swait.ge [sflag:s5], $0x200  }
0x56: {  	[sflag:s5] =	ssyncset.done $0x0  }
0x57: {  	[sflag:s5] =	ssyncadd.s32 $0xFFFFFE00  }
0x58: {  	[tilespmem:s7], [sflag:$0x5] =	stream.linear.gather [hbm4b:s6+s4], $0x200, $0x38;
	[tilespmem:$0x10400] =	vst v63  }
0x59: {  	_ =	swait.ge [sflag:s5], $0x200  }
0x5a: {  	[sflag:s5] =	ssyncset.done $0x0  }
0x5b: {  	[sflag:s5] =	ssyncadd.s32 $0xFFFFFE00  }
0x5c: {  	[tilespmem:s9], [sflag:$0x1] =	stream.indirect.gather [hbm4b:s1+s8], $0x80, s4, s8, $0xb8;
	[tilespmem:$0x10400] =	vst v63  }
0x5d: {  	_ = 	snop  }
0x5e: {  	[tilespmem:s10], [sflag:$0x2] =	stream.indirect.gather [hbm4b:s1+s8], $0x80, s8, s8, $0xb8;
	[tilespmem:$0x10400] =	vst v63  }
0x5f: {  	_ = 	snop  }
0x60: {  	[tilespmem:s11], [sflag:$0x3] =	stream.indirect.gather [hbm4b:s3+s8], $0x80, s7, s8, $0xb8;
	[tilespmem:$0x10400] =	vst v63  }
0x61: {  	_ = 	snop  }
0x62: {  	[tilespmem:s13], [sflag:$0x4] =	stream.indirect.gather [hbm4b:s3+s8], $0x80, s12, s8, $0xb8;
	[tilespmem:$0x10400] =	vst v63  }
0x63: {  	_ =	swait.ge [sflag:s14], $0x4000  }
0x64: {  	[sflag:s14] =	ssyncset.done $0x0  }
0x65: {  	[sflag:s14] =	ssyncadd.s32 $0xFFFFC000  }
0x66: {  	[hbm4b:s15+s4] =	stream.linear.scatter [tilespmem:s9], [sflag:$0x5], $0x4000, $0x38;
	[tilespmem:$0x10400] =	vst v63  }
0x67: {  	_ =	swait.ge [sflag:s5], $0x4000  }
0x68: {  	[sflag:s5] =	ssyncset.done $0x0  }
0x69: {  	[sflag:s5] =	ssyncadd.s32 $0xFFFFC000  }
0x6a: {  	[tilespmem:s9], [sflag:$0x1] =	stream.indirect.gather [hbm4b:s1+s8], $0x80, s16, s8, $0xb8;
	[tilespmem:$0x10400] =	vst v63  }
0x6b: {  	_ =	swait.ge [sflag:s17], $0x4000  }
0x6c: {  	[sflag:s17] =	ssyncset.done $0x0  }
0x6d: {  	[sflag:s17] =	ssyncadd.s32 $0xFFFFC000  }
0x6e: {  	[hbm4b:s18+s4] =	stream.linear.scatter [tilespmem:s11], [sflag:$0x5], $0x4000, $0x38;
	[tilespmem:$0x10400] =	vst v63  }
0x6f: {  	_ =	swait.ge [sflag:s5], $0x4000  }
0x70: {  	[sflag:s5] =	ssyncset.done $0x0  }
0x71: {  	[sflag:s5] =	ssyncadd.s32 $0xFFFFC000  }
0x72: {  	[tilespmem:s11], [sflag:$0x3] =	stream.indirect.gather [hbm4b:s3+s8], $0x80, s19, s8, $0xb8;
	[tilespmem:$0x10400] =	vst v63  }
0x73: {  	_ =	swait.ge [sflag:s20], $0x4000  }
0x74: {  	[sflag:s20] =	ssyncset.done $0x0  }
0x75: {  	[sflag:s20] =	ssyncadd.s32 $0xFFFFC000  }
0x76: {  	[hbm4b:s21+s4] =	stream.linear.scatter [tilespmem:s10], [sflag:$0x5], $0x4000, $0x38;
	[tilespmem:$0x10400] =	vst v63  }
0x77: {  	_ =	swait.ge [sflag:s5], $0x4000  }
0x78: {  	[sflag:s5] =	ssyncset.done $0x0  }
0x79: {  	[sflag:s5] =	ssyncadd.s32 $0xFFFFC000  }
0x7a: {  	[tilespmem:s10], [sflag:$0x2] =	stream.indirect.gather [hbm4b:s1+s8], $0x80, s22, s8, $0xb8;
	[tilespmem:$0x10400] =	vst v63  }
0x7b: {  	_ =	swait.ge [sflag:s23], $0x4000  }
0x7c: {  	[sflag:s23] =	ssyncset.done $0x0  }
0x7d: {  	[sflag:s23] =	ssyncadd.s32 $0xFFFFC000  }
0x7e: {  	[hbm4b:s24+s4] =	stream.linear.scatter [tilespmem:s13], [sflag:$0x5], $0x4000, $0x38;
	[tilespmem:$0x10400] =	vst v63  }
0x7f: {  	_ =	swait.ge [sflag:s5], $0x4000  }
0x80: {  	[sflag:s5] =	ssyncset.done $0x0  }
0x81: {  	[sflag:s5] =	ssyncadd.s32 $0xFFFFC000  }
0x82: {  	[tilespmem:s13], [sflag:$0x4] =	stream.indirect.gather [hbm4b:s3+s8], $0x80, s25, s8, $0xb8;
	[tilespmem:$0x10400] =	vst v63  }
0x83: {  	_ =	swait.ge [sflag:s14], $0x4000  }
0x84: {  	[sflag:s14] =	ssyncset.done $0x0  }
0x85: {  	[sflag:s14] =	ssyncadd.s32 $0xFFFFC000  }
0x86: {  	[hbm4b:s26+s4] =	stream.linear.scatter [tilespmem:s9], [sflag:$0x5], $0x4000, $0x38;
	[tilespmem:$0x10400] =	vst v63  }
0x87: {  	_ =	swait.ge [sflag:s5], $0x4000  }
0x88: {  	[sflag:s5] =	ssyncset.done $0x0  }
0x89: {  	[sflag:s5] =	ssyncadd.s32 $0xFFFFC000  }
0x8a: {  	_ =	swait.ge [sflag:s17], $0x4000  }
0x8b: {  	[sflag:s17] =	ssyncset.done $0x0  }
0x8c: {  	[sflag:s17] =	ssyncadd.s32 $0xFFFFC000  }
0x8d: {  	[hbm4b:s28+s4] =	stream.linear.scatter [tilespmem:s11], [sflag:$0x5], $0x4000, $0x38;
	[tilespmem:$0x10400] =	vst v63  }
0x8e: {  	_ =	swait.ge [sflag:s5], $0x4000  }
0x8f: {  	[sflag:s5] =	ssyncset.done $0x0  }
0x90: {  	[sflag:s5] =	ssyncadd.s32 $0xFFFFC000  }
0x91: {  	_ =	swait.ge [sflag:s20], $0x4000  }
0x92: {  	[sflag:s20] =	ssyncset.done $0x0  }
0x93: {  	[sflag:s20] =	ssyncadd.s32 $0xFFFFC000  }
0x94: {  	[hbm4b:s29+s4] =	stream.linear.scatter [tilespmem:s10], [sflag:$0x5], $0x4000, $0x38;
	[tilespmem:$0x10400] =	vst v63  }
0x95: {  	_ =	swait.ge [sflag:s5], $0x4000  }
0x96: {  	[sflag:s5] =	ssyncset.done $0x0  }
0x97: {  	p0 =	sne.s32 s31, $0x1;
	[sflag:s5] =	ssyncadd.s32 $0xFFFFC000  }
.Ltmp1:
0x98: {  	_ =	swait.ge [sflag:s23], $0x4000;
	(pc) =	sbr.rel @p0 .LBB2_1-.Ltmp1, $4  }
0x99: {  	[sflag:s23] =	ssyncset.done $0x0  }
0x9a: {  	[sflag:s23] =	ssyncadd.s32 $0xFFFFC000  }
0x9b: {  	[hbm4b:s30+s4] =	stream.linear.scatter [tilespmem:s13], [sflag:$0x5], $0x4000, $0x38;
	[tilespmem:$0x10400] =	vst v63  }
0x9c: {  	s31 =	sadd.s32 $0xFFFFFFFF, s31;
	_ =	swait.ge [sflag:s5], $0x4000  }
.LBB2_2:
0x9d: {  	[sflag:s5] =	ssyncset.done $0x0  }
0x9e: {  	[sflag:s5] =	ssyncadd.s32 $0xFFFFC000  }
0x9f: {  	_ =	sfence.sel $0x180000  }
0xa0: {  	[bflag:$0x0] =	sbarrier.arrive $0xFFFF  }
0xa1: {  	_ =	strace $0x90000047  }
0xa2: {  	s0 =	stileid.u32;
	[bflag:$0x2] =	sbarrier.arrive $0xFFFF  }
0xa3: {  	p0 =	sne.s32 s0, $0x0;
	s0 =	rddreg [dreg:$0x5]  }
0xa4: {  	s0 =	sadd.s32 @!p0 $0x100000, s0  }
0xa5: {  	[sflag:s0] =	ssyncadd.tile.s32 @!p0 $0x1;
	_ =	shalt  }
.Lfunc_end2:
_tile_overlayer_lowered:
.L_overlay_start_2:
0xa6: {  	(tag) =	ssettag $0x2  }
0xa7: {  	s0 =	rddreg [dreg:$0x0];
	s2 =	stileid.u32  }
0xa8: {  	s1 =	rddreg [dreg:$0x1];
	p0 =	sne.s32 s2, $0x0  }
0xa9: {  	s3 =	rddreg [dreg:$0x2];
	[bflag:$0x3] =	sbarrier.arrive $0xFFFF;
	s2 =	simm.s32 @!p0 $0x1C05  }
0xaa: {  	[timem:s3], [sflag:s2] =	dma.local @!p0 [hbm:s0], s1  }
0xab: {  	s0 =	simm.s32 @!p0 $0x5  }
0xac: {  	_ =	swait.ge @!p0 [sflag:s0], s1  }
0xad: {  	s1 =	ssub.s32 @!p0 $0x0, s1;
	[sflag:s0] =	ssyncset.done @!p0 $0x0  }
0xae: {  	[sflag:s0] =	ssyncadd.s32 @!p0 s1  }
0xaf: {  	[bflag:$0x3] =	sbarrier.arrive $0xFFFF  }
0xb0: {  	_ =	shalt  }

</sc_bundles>
